<compile_context>
chip_gen: v7x
topology: tpu7x:2x2x1
jax: 0.10.2.dev20260603
libtpu: 0.0.44.dev20260713+nightly
codegen_flags: <defaults>
</compile_context>

<pallas_src>
import jax
import jax.numpy as jnp
from jax import lax
from jax.experimental import pallas as pl
from jax.experimental.pallas import tpu as pltpu
from jax.experimental.pallas import tpu_sc as plsc

B, D, C, K = 1024, 256, 128, 10
BB = 512
NEG = -1e30

NW = 16
RPW = B // NW


def _tc_body(x_ref, retr_ref, pw_ref, pb_ref, aw_ref, gs_ref, att_ref):
    x = x_ref[...]
    logits = jnp.dot(x, pw_ref[...], preferred_element_type=jnp.float32)
    logits = logits + pb_ref[...][None, :]
    m = jnp.max(logits, axis=1, keepdims=True)
    e = jnp.exp(logits - m)
    g = e / jnp.sum(e, axis=1, keepdims=True)

    q = jnp.dot(x, aw_ref[...], preferred_element_type=jnp.float32)
    s0 = jnp.sum(q * x, axis=1)
    sk = jnp.sum(retr_ref[...] * q[None, :, :], axis=2)
    scores = jnp.concatenate([s0[None, :], sk], axis=0)

    sm = jnp.max(scores, axis=0, keepdims=True)
    se = jnp.exp(scores - sm)
    att = se * (jnp.float32(C) / jnp.sum(se, axis=0, keepdims=True))

    gs_ref[...] = att[0][:, None] * g
    att_ref[...] = jnp.concatenate(
        [att[1:], jnp.zeros((16 - K, BB), jnp.float32)], axis=0)


def _sc_body(att_hbm, y_hbm, gs_hbm, out_hbm, a_v, y_v, o_v, sem):
    wid = lax.axis_index("s")
    base = wid * RPW
    ab = pl.multiple_of((wid // 2) * 128, 128)
    cb = (wid % 2) * RPW
    cp_a = pltpu.make_async_copy(att_hbm.at[:, pl.ds(ab, 128)], a_v, sem)
    cp_y = pltpu.make_async_copy(y_hbm.at[:, pl.ds(ab, 128)], y_v, sem)
    cp_g = pltpu.make_async_copy(gs_hbm.at[pl.ds(base, RPW)], o_v, sem)
    cp_a.start(); cp_y.start(); cp_g.start()
    cp_a.wait(); cp_y.wait(); cp_g.wait()

    lanes = lax.iota(jnp.int32, 16)
    for r in range(RPW // 16):
        rows = r * 16 + lanes
        for k in range(K):
            sl = pl.ds(cb + r * 16, 16)
            plsc.addupdate_scatter(o_v, [rows, y_v[k, sl]], a_v[k, sl])

    cp_o = pltpu.make_async_copy(o_v, out_hbm.at[pl.ds(base, RPW)], sem)
    cp_o.start(); cp_o.wait()


@jax.jit
def _run(graph_embeddings, retrieval_embeddings, pred_W, pred_b, adapter_W,
         retrieval_y):
    gs, att = pl.pallas_call(
        _tc_body,
        grid=(B // BB,),
        in_specs=[
            pl.BlockSpec((BB, D), lambda i: (i, 0)),
            pl.BlockSpec((K, BB, D), lambda i: (0, i, 0)),
            pl.BlockSpec((D, C), lambda i: (0, 0)),
            pl.BlockSpec((C,), lambda i: (0,)),
            pl.BlockSpec((D, D), lambda i: (0, 0)),
        ],
        out_specs=[
            pl.BlockSpec((BB, C), lambda i: (i, 0)),
            pl.BlockSpec((16, BB), lambda i: (0, i)),
        ],
        out_shape=[
            jax.ShapeDtypeStruct((B, C), jnp.float32),
            jax.ShapeDtypeStruct((16, B), jnp.float32),
        ],
        compiler_params=pltpu.CompilerParams(skip_device_barrier=True),
    )(graph_embeddings, retrieval_embeddings, pred_W, pred_b, adapter_W)

    mesh = plsc.VectorSubcoreMesh(core_axis_name="c", subcore_axis_name="s", num_cores=1)
    fuse = pl.kernel(
        _sc_body,
        out_type=jax.ShapeDtypeStruct((B, C), jnp.float32),
        mesh=mesh,
        compiler_params=pltpu.CompilerParams(needs_layout_passes=False,
                                             skip_device_barrier=True),
        scratch_types=[
            pltpu.VMEM((16, 128), jnp.float32),
            pltpu.VMEM((K, 128), jnp.int32),
            pltpu.VMEM((RPW, C), jnp.float32),
            pltpu.SemaphoreType.DMA,
        ],
    )
    return fuse(att, retrieval_y, gs)


def kernel(graph_embeddings, retrieval_embeddings, pred_W, pred_b, adapter_W,
           retrieval_y):
    return _run(graph_embeddings, retrieval_embeddings, pred_W, pred_b,
                adapter_W, retrieval_y.astype(jnp.int32))

# --- scband reference (transcript-rebuilt; emitter-appended) ---
"""Pipeline reference for scband-graph-retrieval-19877108646250 (READ-ONLY COPY).

The authoritative reference and input builder live on the scoring server;
editing this copy changes nothing except your own understanding.
"""

import jax, jax.numpy as jnp
import numpy as np

B, D, C, K = 1024, 256, 128, 10

def setup_inputs(seed: int = 0) -> dict:
    key = jax.random.key(seed)
    ks = jax.random.split(key, 6)
    return {
        "graph_embeddings": jax.random.normal(ks[0], (B, D), dtype=jnp.float32),
        "retrieval_embeddings": jax.random.normal(ks[1], (K, B, D), dtype=jnp.float32),
        "pred_W": jax.random.normal(ks[2], (D, C), dtype=jnp.float32) * 0.05,
        "pred_b": jnp.zeros((C,), dtype=jnp.float32),
        "adapter_W": jax.random.normal(ks[3], (D, D), dtype=jnp.float32) * 0.05,
        "retrieval_y": jax.random.randint(ks[4], (K, B), 0, C),
    }

def reference(graph_embeddings, retrieval_embeddings, pred_W, pred_b, adapter_W, retrieval_y):
    # source == 'other' branch: g_label = softmax(graph_pred_linear(h))
    g_label = jax.nn.softmax(graph_embeddings @ pred_W + pred_b, axis=1)
    r_labels = [g_label]
    H = [graph_embeddings]
    num_classes = pred_b.shape[0]
    for k in range(retrieval_embeddings.shape[0]):
        # tmp_labels[i, y[i]] = 1.0  -> one-hot over classes
        tmp_labels = jax.nn.one_hot(retrieval_y[k], num_classes, dtype=g_label.dtype)
        r_labels.append(tmp_labels)
        # h_retrieval_graph = frozen gnn.get_graph_representation(retrieval_graph)
        H.append(retrieval_embeddings[k])
    b, d = graph_embeddings.shape
    concat_H = jnp.concatenate(H, axis=-1).reshape(b, -1, d)
    # adapter: bilinear score between query embedding and each candidate embedding
    scores = jnp.einsum('bd,bkd->bk', graph_embeddings @ adapter_W, concat_H)
    labels = jnp.concatenate(r_labels, axis=-1)
    attention = jax.nn.softmax(scores, axis=1)
    labels = labels.reshape(attention.shape[0], attention.shape[1], -1)
    att = attention.reshape(attention.shape[0], -1, 1)
    att = jnp.tile(att, (1, 1, labels.shape[-1]))
    att = jnp.swapaxes(att, -2, -1)
    output = att @ labels
    output = output.sum(axis=-2)
    return output

if __name__ == "__main__":
    import jax
    _d = setup_inputs()
    print(jax.jit(kernel)(*tuple(_d.values())))

</pallas_src>

<mosaic_0001>
#map = affine_map<(d0, d1) -> (0, 0)>
module attributes {stable_mosaic.version = 14 : i64} {
  func.func @_sc_body(%arg0: i32, %arg1: i32, %arg2: memref<16x1024xf32, #tpu.memory_space<hbm>>, %arg3: memref<10x1024xi32, #tpu.memory_space<hbm>>, %arg4: memref<1024x128xf32, #tpu.memory_space<hbm>>, %arg5: memref<1024x128xf32, #tpu.memory_space<hbm>>, %arg6: memref<16x128xf32, #tpu.memory_space<vmem>>, %arg7: memref<10x128xi32, #tpu.memory_space<vmem>>, %arg8: memref<64x128xf32, #tpu.memory_space<vmem>>, %arg9: memref<!tpu.dma_semaphore, #tpu.memory_space<semaphore_mem>>) attributes {dimension_semantics = [#tpu.dimension_semantics<core_parallel>, #tpu.dimension_semantics<subcore_parallel>], iteration_bounds = array<i64: 1, 16>, scalar_prefetch = 0 : i64, scratch_operands = 4 : i64, tpu.core_type = #tpu.core_type<sc_vector_subcore>, window_params = [{transform_indices = #map}, {transform_indices = #map}, {transform_indices = #map}, {transform_indices = #map}]} {
    %mul3A = arith.constant 64 : i32
    %mul3A_0 = arith.muli %arg1, %mul3A : i32
    %jit3A = arith.constant 2 : i32
    %div3A = arith.divsi %arg1, %jit3A : i32
    %sign3A = arith.constant 0 : i32
    %sign3A_1 = arith.cmpi sgt, %arg1, %sign3A : i32
    %sign3A_2 = arith.extui %sign3A_1 : i1 to i32
    %sign3A_3 = arith.constant 0 : i32
    %sign3A_4 = arith.cmpi slt, %arg1, %sign3A_3 : i32
    %sign3A_5 = arith.extui %sign3A_4 : i1 to i32
    %sign3A_6 = arith.subi %sign3A_2, %sign3A_5 : i32
    %sign3A_7 = arith.constant 0 : i32
    %sign3A_8 = arith.cmpi sgt, %jit3A, %sign3A_7 : i32
    %sign3A_9 = arith.extui %sign3A_8 : i1 to i32
    %sign3A_10 = arith.constant 0 : i32
    %sign3A_11 = arith.cmpi slt, %jit3A, %sign3A_10 : i32
    %sign3A_12 = arith.extui %sign3A_11 : i1 to i32
    %sign3A_13 = arith.subi %sign3A_9, %sign3A_12 : i32
    %ne3A = arith.cmpi ne, %sign3A_6, %sign3A_13 : i32
    %rem3A = arith.remsi %arg1, %jit3A : i32
    %ne3A_14 = arith.constant 0 : i32
    %ne3A_15 = arith.cmpi ne, %rem3A, %ne3A_14 : i32
    %and3A = arith.andi %ne3A, %ne3A_15 : i1
    %sub3A = arith.constant 1 : i32
    %sub3A_16 = arith.subi %div3A, %sub3A : i32
    %select_n3A = arith.select %and3A, %sub3A_16, %div3A : i32
    %mul3A_17 = arith.constant 128 : i32
    %mul3A_18 = arith.muli %select_n3A, %mul3A_17 : i32
    %multiple_of3A = tpu.assume_multiple %mul3A_18, 128 : i32
    %jit3A_19 = arith.constant 2 : i32
    %eq3A = arith.constant 0 : i32
    %eq3A_20 = arith.cmpi eq, %jit3A_19, %eq3A : i32
    %jit3A_21 = arith.constant 1 : i32
    %select_n3A_22 = arith.select %eq3A_20, %jit3A_21, %jit3A_19 : i32
    %rem3A_23 = arith.remsi %arg1, %select_n3A_22 : i32
    %ne3A_24 = arith.constant 0 : i32
    %ne3A_25 = arith.cmpi ne, %rem3A_23, %ne3A_24 : i32
    %lt3A = arith.constant 0 : i32
    %lt3A_26 = arith.cmpi slt, %rem3A_23, %lt3A : i32
    %lt3A_27 = arith.constant 0 : i32
    %lt3A_28 = arith.cmpi slt, %select_n3A_22, %lt3A_27 : i32
    %ne3A_29 = arith.xori %lt3A_26, %lt3A_28 : i1
    %and3A_30 = arith.andi %ne3A_29, %ne3A_25 : i1
    %add3A = arith.addi %rem3A_23, %select_n3A_22 : i32
    %select_n3A_31 = arith.select %and3A_30, %add3A, %rem3A_23 : i32
    %mul3A_32 = arith.constant 64 : i32
    %mul3A_33 = arith.muli %select_n3A_31, %mul3A_32 : i32
    %dma_start3A = arith.constant 0 : i32
    %dma_start3A_34 = tpu.memref_slice %arg2[%dma_start3A, %multiple_of3A] : memref<16x1024xf32, #tpu.memory_space<hbm>> -> memref<16x128xf32, #tpu.memory_space<hbm>>
    %dma_start3A_35 = arith.constant 0 : i32
    %dma_start3A_36 = tpu.memref_slice %arg2[%dma_start3A_35, %multiple_of3A] : memref<16x1024xf32, #tpu.memory_space<hbm>> -> memref<16x128xf32, #tpu.memory_space<hbm>>
    tpu.enqueue_dma source(%dma_start3A_36 : memref<16x128xf32, #tpu.memory_space<hbm>>) target(%arg6 : memref<16x128xf32, #tpu.memory_space<vmem>>) target_semaphore(%arg9 : memref<!tpu.dma_semaphore, #tpu.memory_space<semaphore_mem>>)
    %dma_start3A_37 = arith.constant 0 : i32
    %dma_start3A_38 = tpu.memref_slice %arg3[%dma_start3A_37, %multiple_of3A] : memref<10x1024xi32, #tpu.memory_space<hbm>> -> memref<10x128xi32, #tpu.memory_space<hbm>>
    %dma_start3A_39 = arith.constant 0 : i32
    %dma_start3A_40 = tpu.memref_slice %arg3[%dma_start3A_39, %multiple_of3A] : memref<10x1024xi32, #tpu.memory_space<hbm>> -> memref<10x128xi32, #tpu.memory_space<hbm>>
    tpu.enqueue_dma source(%dma_start3A_40 : memref<10x128xi32, #tpu.memory_space<hbm>>) target(%arg7 : memref<10x128xi32, #tpu.memory_space<vmem>>) target_semaphore(%arg9 : memref<!tpu.dma_semaphore, #tpu.memory_space<semaphore_mem>>)
    %dma_start3A_41 = arith.constant 0 : i32
    %dma_start3A_42 = tpu.memref_slice %arg4[%mul3A_0, %dma_start3A_41] : memref<1024x128xf32, #tpu.memory_space<hbm>> -> memref<64x128xf32, #tpu.memory_space<hbm>>
    %dma_start3A_43 = arith.constant 0 : i32
    %dma_start3A_44 = tpu.memref_slice %arg4[%mul3A_0, %dma_start3A_43] : memref<1024x128xf32, #tpu.memory_space<hbm>> -> memref<64x128xf32, #tpu.memory_space<hbm>>
    tpu.enqueue_dma source(%dma_start3A_44 : memref<64x128xf32, #tpu.memory_space<hbm>>) target(%arg8 : memref<64x128xf32, #tpu.memory_space<vmem>>) target_semaphore(%arg9 : memref<!tpu.dma_semaphore, #tpu.memory_space<semaphore_mem>>)
    %dma_wait3A = arith.constant 0 : i32
    %dma_wait3A_45 = tpu.memref_slice %arg2[%dma_wait3A, %multiple_of3A] : memref<16x1024xf32, #tpu.memory_space<hbm>> -> memref<16x128xf32, #tpu.memory_space<hbm>>
    %dma_wait3A_46 = arith.constant 0 : i32
    %dma_wait3A_47 = tpu.memref_slice %arg2[%dma_wait3A_46, %multiple_of3A] : memref<16x1024xf32, #tpu.memory_space<hbm>> -> memref<16x128xf32, #tpu.memory_space<hbm>>
    tpu.wait_dma2 semaphore(%arg9 : memref<!tpu.dma_semaphore, #tpu.memory_space<semaphore_mem>>) src(%dma_wait3A_47 : memref<16x128xf32, #tpu.memory_space<hbm>>) dst(%arg6 : memref<16x128xf32, #tpu.memory_space<vmem>>)
    %dma_wait3A_48 = arith.constant 0 : i32
    %dma_wait3A_49 = tpu.memref_slice %arg3[%dma_wait3A_48, %multiple_of3A] : memref<10x1024xi32, #tpu.memory_space<hbm>> -> memref<10x128xi32, #tpu.memory_space<hbm>>
    %dma_wait3A_50 = arith.constant 0 : i32
    %dma_wait3A_51 = tpu.memref_slice %arg3[%dma_wait3A_50, %multiple_of3A] : memref<10x1024xi32, #tpu.memory_space<hbm>> -> memref<10x128xi32, #tpu.memory_space<hbm>>
    tpu.wait_dma2 semaphore(%arg9 : memref<!tpu.dma_semaphore, #tpu.memory_space<semaphore_mem>>) src(%dma_wait3A_51 : memref<10x128xi32, #tpu.memory_space<hbm>>) dst(%arg7 : memref<10x128xi32, #tpu.memory_space<vmem>>)
    %dma_wait3A_52 = arith.constant 0 : i32
    %dma_wait3A_53 = tpu.memref_slice %arg4[%mul3A_0, %dma_wait3A_52] : memref<1024x128xf32, #tpu.memory_space<hbm>> -> memref<64x128xf32, #tpu.memory_space<hbm>>
    %dma_wait3A_54 = arith.constant 0 : i32
    %dma_wait3A_55 = tpu.memref_slice %arg4[%mul3A_0, %dma_wait3A_54] : memref<1024x128xf32, #tpu.memory_space<hbm>> -> memref<64x128xf32, #tpu.memory_space<hbm>>
    tpu.wait_dma2 semaphore(%arg9 : memref<!tpu.dma_semaphore, #tpu.memory_space<semaphore_mem>>) src(%dma_wait3A_55 : memref<64x128xf32, #tpu.memory_space<hbm>>) dst(%arg8 : memref<64x128xf32, #tpu.memory_space<vmem>>)
    %iota3A = tpu.iota {dimensions = array<i32: 0>} : vector<16xi32>
    %add3A_56 = arith.constant 0 : i32
    %add3A_57 = vector.broadcast %add3A_56 : i32 to vector<16xi32>
    %add3A_58 = arith.addi %add3A_57, %iota3A : vector<16xi32>
    %add3A_59 = arith.constant 0 : i32
    %add3A_60 = arith.addi %mul3A_33, %add3A_59 : i32
    %get3A = arith.constant 0 : i32
    %get3A_61 = arith.index_cast %get3A : i32 to index
    %get3A_62 = arith.index_cast %add3A_60 : i32 to index
    %get3A_63 = tpu.vector_load %arg7[%get3A_61, %get3A_62] {strides = array<i32>} : memref<10x128xi32, #tpu.memory_space<vmem>>, vector<16xi32>,
    %get3A_64 = arith.constant 0 : i32
    %get3A_65 = arith.index_cast %get3A_64 : i32 to index
    %get3A_66 = arith.index_cast %add3A_60 : i32 to index
    %get3A_67 = tpu.vector_load %arg6[%get3A_65, %get3A_66] {strides = array<i32>} : memref<16x128xf32, #tpu.memory_space<vmem>>, vector<16xf32>,
    tpu.vector_store_idx %arg8[%add3A_58, %get3A_63], %get3A_67 {add = true} : memref<64x128xf32, #tpu.memory_space<vmem>>[vector<16xi32>, vector<16xi32>], vector<16xf32>,
    %add3A_68 = arith.constant 0 : i32
    %add3A_69 = arith.addi %mul3A_33, %add3A_68 : i32
    %get3A_70 = arith.constant 1 : i32
    %get3A_71 = arith.index_cast %get3A_70 : i32 to index
    %get3A_72 = arith.index_cast %add3A_69 : i32 to index
    %get3A_73 = tpu.vector_load %arg7[%get3A_71, %get3A_72] {strides = array<i32>} : memref<10x128xi32, #tpu.memory_space<vmem>>, vector<16xi32>,
    %get3A_74 = arith.constant 1 : i32
    %get3A_75 = arith.index_cast %get3A_74 : i32 to index
    %get3A_76 = arith.index_cast %add3A_69 : i32 to index
    %get3A_77 = tpu.vector_load %arg6[%get3A_75, %get3A_76] {strides = array<i32>} : memref<16x128xf32, #tpu.memory_space<vmem>>, vector<16xf32>,
    tpu.vector_store_idx %arg8[%add3A_58, %get3A_73], %get3A_77 {add = true} : memref<64x128xf32, #tpu.memory_space<vmem>>[vector<16xi32>, vector<16xi32>], vector<16xf32>,
    %add3A_78 = arith.constant 0 : i32
    %add3A_79 = arith.addi %mul3A_33, %add3A_78 : i32
    %get3A_80 = arith.constant 2 : i32
    %get3A_81 = arith.index_cast %get3A_80 : i32 to index
    %get3A_82 = arith.index_cast %add3A_79 : i32 to index
    %get3A_83 = tpu.vector_load %arg7[%get3A_81, %get3A_82] {strides = array<i32>} : memref<10x128xi32, #tpu.memory_space<vmem>>, vector<16xi32>,
    %get3A_84 = arith.constant 2 : i32
    %get3A_85 = arith.index_cast %get3A_84 : i32 to index
    %get3A_86 = arith.index_cast %add3A_79 : i32 to index
    %get3A_87 = tpu.vector_load %arg6[%get3A_85, %get3A_86] {strides = array<i32>} : memref<16x128xf32, #tpu.memory_space<vmem>>, vector<16xf32>,
    tpu.vector_store_idx %arg8[%add3A_58, %get3A_83], %get3A_87 {add = true} : memref<64x128xf32, #tpu.memory_space<vmem>>[vector<16xi32>, vector<16xi32>], vector<16xf32>,
    %add3A_88 = arith.constant 0 : i32
    %add3A_89 = arith.addi %mul3A_33, %add3A_88 : i32
    %get3A_90 = arith.constant 3 : i32
    %get3A_91 = arith.index_cast %get3A_90 : i32 to index
    %get3A_92 = arith.index_cast %add3A_89 : i32 to index
    %get3A_93 = tpu.vector_load %arg7[%get3A_91, %get3A_92] {strides = array<i32>} : memref<10x128xi32, #tpu.memory_space<vmem>>, vector<16xi32>,
    %get3A_94 = arith.constant 3 : i32
    %get3A_95 = arith.index_cast %get3A_94 : i32 to index
    %get3A_96 = arith.index_cast %add3A_89 : i32 to index
    %get3A_97 = tpu.vector_load %arg6[%get3A_95, %get3A_96] {strides = array<i32>} : memref<16x128xf32, #tpu.memory_space<vmem>>, vector<16xf32>,
    tpu.vector_store_idx %arg8[%add3A_58, %get3A_93], %get3A_97 {add = true} : memref<64x128xf32, #tpu.memory_space<vmem>>[vector<16xi32>, vector<16xi32>], vector<16xf32>,
    %add3A_98 = arith.constant 0 : i32
    %add3A_99 = arith.addi %mul3A_33, %add3A_98 : i32
    %get3A_100 = arith.constant 4 : i32
    %get3A_101 = arith.index_cast %get3A_100 : i32 to index
    %get3A_102 = arith.index_cast %add3A_99 : i32 to index
    %get3A_103 = tpu.vector_load %arg7[%get3A_101, %get3A_102] {strides = array<i32>} : memref<10x128xi32, #tpu.memory_space<vmem>>, vector<16xi32>,
    %get3A_104 = arith.constant 4 : i32
    %get3A_105 = arith.index_cast %get3A_104 : i32 to index
    %get3A_106 = arith.index_cast %add3A_99 : i32 to index
    %get3A_107 = tpu.vector_load %arg6[%get3A_105, %get3A_106] {strides = array<i32>} : memref<16x128xf32, #tpu.memory_space<vmem>>, vector<16xf32>,
    tpu.vector_store_idx %arg8[%add3A_58, %get3A_103], %get3A_107 {add = true} : memref<64x128xf32, #tpu.memory_space<vmem>>[vector<16xi32>, vector<16xi32>], vector<16xf32>,
    %add3A_108 = arith.constant 0 : i32
    %add3A_109 = arith.addi %mul3A_33, %add3A_108 : i32
    %get3A_110 = arith.constant 5 : i32
    %get3A_111 = arith.index_cast %get3A_110 : i32 to index
    %get3A_112 = arith.index_cast %add3A_109 : i32 to index
    %get3A_113 = tpu.vector_load %arg7[%get3A_111, %get3A_112] {strides = array<i32>} : memref<10x128xi32, #tpu.memory_space<vmem>>, vector<16xi32>,
    %get3A_114 = arith.constant 5 : i32
    %get3A_115 = arith.index_cast %get3A_114 : i32 to index
    %get3A_116 = arith.index_cast %add3A_109 : i32 to index
    %get3A_117 = tpu.vector_load %arg6[%get3A_115, %get3A_116] {strides = array<i32>} : memref<16x128xf32, #tpu.memory_space<vmem>>, vector<16xf32>,
    tpu.vector_store_idx %arg8[%add3A_58, %get3A_113], %get3A_117 {add = true} : memref<64x128xf32, #tpu.memory_space<vmem>>[vector<16xi32>, vector<16xi32>], vector<16xf32>,
    %add3A_118 = arith.constant 0 : i32
    %add3A_119 = arith.addi %mul3A_33, %add3A_118 : i32
    %get3A_120 = arith.constant 6 : i32
    %get3A_121 = arith.index_cast %get3A_120 : i32 to index
    %get3A_122 = arith.index_cast %add3A_119 : i32 to index
    %get3A_123 = tpu.vector_load %arg7[%get3A_121, %get3A_122] {strides = array<i32>} : memref<10x128xi32, #tpu.memory_space<vmem>>, vector<16xi32>,
    %get3A_124 = arith.constant 6 : i32
    %get3A_125 = arith.index_cast %get3A_124 : i32 to index
    %get3A_126 = arith.index_cast %add3A_119 : i32 to index
    %get3A_127 = tpu.vector_load %arg6[%get3A_125, %get3A_126] {strides = array<i32>} : memref<16x128xf32, #tpu.memory_space<vmem>>, vector<16xf32>,
    tpu.vector_store_idx %arg8[%add3A_58, %get3A_123], %get3A_127 {add = true} : memref<64x128xf32, #tpu.memory_space<vmem>>[vector<16xi32>, vector<16xi32>], vector<16xf32>,
    %add3A_128 = arith.constant 0 : i32
    %add3A_129 = arith.addi %mul3A_33, %add3A_128 : i32
    %get3A_130 = arith.constant 7 : i32
    %get3A_131 = arith.index_cast %get3A_130 : i32 to index
    %get3A_132 = arith.index_cast %add3A_129 : i32 to index
    %get3A_133 = tpu.vector_load %arg7[%get3A_131, %get3A_132] {strides = array<i32>} : memref<10x128xi32, #tpu.memory_space<vmem>>, vector<16xi32>,
    %get3A_134 = arith.constant 7 : i32
    %get3A_135 = arith.index_cast %get3A_134 : i32 to index
    %get3A_136 = arith.index_cast %add3A_129 : i32 to index
    %get3A_137 = tpu.vector_load %arg6[%get3A_135, %get3A_136] {strides = array<i32>} : memref<16x128xf32, #tpu.memory_space<vmem>>, vector<16xf32>,
    tpu.vector_store_idx %arg8[%add3A_58, %get3A_133], %get3A_137 {add = true} : memref<64x128xf32, #tpu.memory_space<vmem>>[vector<16xi32>, vector<16xi32>], vector<16xf32>,
    %add3A_138 = arith.constant 0 : i32
    %add3A_139 = arith.addi %mul3A_33, %add3A_138 : i32
    %get3A_140 = arith.constant 8 : i32
    %get3A_141 = arith.index_cast %get3A_140 : i32 to index
    %get3A_142 = arith.index_cast %add3A_139 : i32 to index
    %get3A_143 = tpu.vector_load %arg7[%get3A_141, %get3A_142] {strides = array<i32>} : memref<10x128xi32, #tpu.memory_space<vmem>>, vector<16xi32>,
    %get3A_144 = arith.constant 8 : i32
    %get3A_145 = arith.index_cast %get3A_144 : i32 to index
    %get3A_146 = arith.index_cast %add3A_139 : i32 to index
    %get3A_147 = tpu.vector_load %arg6[%get3A_145, %get3A_146] {strides = array<i32>} : memref<16x128xf32, #tpu.memory_space<vmem>>, vector<16xf32>,
    tpu.vector_store_idx %arg8[%add3A_58, %get3A_143], %get3A_147 {add = true} : memref<64x128xf32, #tpu.memory_space<vmem>>[vector<16xi32>, vector<16xi32>], vector<16xf32>,
    %add3A_148 = arith.constant 0 : i32
    %add3A_149 = arith.addi %mul3A_33, %add3A_148 : i32
    %get3A_150 = arith.constant 9 : i32
    %get3A_151 = arith.index_cast %get3A_150 : i32 to index
    %get3A_152 = arith.index_cast %add3A_149 : i32 to index
    %get3A_153 = tpu.vector_load %arg7[%get3A_151, %get3A_152] {strides = array<i32>} : memref<10x128xi32, #tpu.memory_space<vmem>>, vector<16xi32>,
    %get3A_154 = arith.constant 9 : i32
    %get3A_155 = arith.index_cast %get3A_154 : i32 to index
    %get3A_156 = arith.index_cast %add3A_149 : i32 to index
    %get3A_157 = tpu.vector_load %arg6[%get3A_155, %get3A_156] {strides = array<i32>} : memref<16x128xf32, #tpu.memory_space<vmem>>, vector<16xf32>,
    tpu.vector_store_idx %arg8[%add3A_58, %get3A_153], %get3A_157 {add = true} : memref<64x128xf32, #tpu.memory_space<vmem>>[vector<16xi32>, vector<16xi32>], vector<16xf32>,
    %add3A_158 = arith.constant 16 : i32
    %add3A_159 = vector.broadcast %add3A_158 : i32 to vector<16xi32>
    %add3A_160 = arith.addi %add3A_159, %iota3A : vector<16xi32>
    %add3A_161 = arith.constant 16 : i32
    %add3A_162 = arith.addi %mul3A_33, %add3A_161 : i32
    %get3A_163 = arith.constant 0 : i32
    %get3A_164 = arith.index_cast %get3A_163 : i32 to index
    %get3A_165 = arith.index_cast %add3A_162 : i32 to index
    %get3A_166 = tpu.vector_load %arg7[%get3A_164, %get3A_165] {strides = array<i32>} : memref<10x128xi32, #tpu.memory_space<vmem>>, vector<16xi32>,
    %get3A_167 = arith.constant 0 : i32
    %get3A_168 = arith.index_cast %get3A_167 : i32 to index
    %get3A_169 = arith.index_cast %add3A_162 : i32 to index
    %get3A_170 = tpu.vector_load %arg6[%get3A_168, %get3A_169] {strides = array<i32>} : memref<16x128xf32, #tpu.memory_space<vmem>>, vector<16xf32>,
    tpu.vector_store_idx %arg8[%add3A_160, %get3A_166], %get3A_170 {add = true} : memref<64x128xf32, #tpu.memory_space<vmem>>[vector<16xi32>, vector<16xi32>], vector<16xf32>,
    %add3A_171 = arith.constant 16 : i32
    %add3A_172 = arith.addi %mul3A_33, %add3A_171 : i32
    %get3A_173 = arith.constant 1 : i32
    %get3A_174 = arith.index_cast %get3A_173 : i32 to index
    %get3A_175 = arith.index_cast %add3A_172 : i32 to index
    %get3A_176 = tpu.vector_load %arg7[%get3A_174, %get3A_175] {strides = array<i32>} : memref<10x128xi32, #tpu.memory_space<vmem>>, vector<16xi32>,
    %get3A_177 = arith.constant 1 : i32
    %get3A_178 = arith.index_cast %get3A_177 : i32 to index
    %get3A_179 = arith.index_cast %add3A_172 : i32 to index
    %get3A_180 = tpu.vector_load %arg6[%get3A_178, %get3A_179] {strides = array<i32>} : memref<16x128xf32, #tpu.memory_space<vmem>>, vector<16xf32>,
    tpu.vector_store_idx %arg8[%add3A_160, %get3A_176], %get3A_180 {add = true} : memref<64x128xf32, #tpu.memory_space<vmem>>[vector<16xi32>, vector<16xi32>], vector<16xf32>,
    %add3A_181 = arith.constant 16 : i32
    %add3A_182 = arith.addi %mul3A_33, %add3A_181 : i32
    %get3A_183 = arith.constant 2 : i32
    %get3A_184 = arith.index_cast %get3A_183 : i32 to index
    %get3A_185 = arith.index_cast %add3A_182 : i32 to index
    %get3A_186 = tpu.vector_load %arg7[%get3A_184, %get3A_185] {strides = array<i32>} : memref<10x128xi32, #tpu.memory_space<vmem>>, vector<16xi32>,
    %get3A_187 = arith.constant 2 : i32
    %get3A_188 = arith.index_cast %get3A_187 : i32 to index
    %get3A_189 = arith.index_cast %add3A_182 : i32 to index
    %get3A_190 = tpu.vector_load %arg6[%get3A_188, %get3A_189] {strides = array<i32>} : memref<16x128xf32, #tpu.memory_space<vmem>>, vector<16xf32>,
    tpu.vector_store_idx %arg8[%add3A_160, %get3A_186], %get3A_190 {add = true} : memref<64x128xf32, #tpu.memory_space<vmem>>[vector<16xi32>, vector<16xi32>], vector<16xf32>,
    %add3A_191 = arith.constant 16 : i32
    %add3A_192 = arith.addi %mul3A_33, %add3A_191 : i32
    %get3A_193 = arith.constant 3 : i32
    %get3A_194 = arith.index_cast %get3A_193 : i32 to index
    %get3A_195 = arith.index_cast %add3A_192 : i32 to index
    %get3A_196 = tpu.vector_load %arg7[%get3A_194, %get3A_195] {strides = array<i32>} : memref<10x128xi32, #tpu.memory_space<vmem>>, vector<16xi32>,
    %get3A_197 = arith.constant 3 : i32
    %get3A_198 = arith.index_cast %get3A_197 : i32 to index
    %get3A_199 = arith.index_cast %add3A_192 : i32 to index
    %get3A_200 = tpu.vector_load %arg6[%get3A_198, %get3A_199] {strides = array<i32>} : memref<16x128xf32, #tpu.memory_space<vmem>>, vector<16xf32>,
    tpu.vector_store_idx %arg8[%add3A_160, %get3A_196], %get3A_200 {add = true} : memref<64x128xf32, #tpu.memory_space<vmem>>[vector<16xi32>, vector<16xi32>], vector<16xf32>,
    %add3A_201 = arith.constant 16 : i32
    %add3A_202 = arith.addi %mul3A_33, %add3A_201 : i32
    %get3A_203 = arith.constant 4 : i32
    %get3A_204 = arith.index_cast %get3A_203 : i32 to index
    %get3A_205 = arith.index_cast %add3A_202 : i32 to index
    %get3A_206 = tpu.vector_load %arg7[%get3A_204, %get3A_205] {strides = array<i32>} : memref<10x128xi32, #tpu.memory_space<vmem>>, vector<16xi32>,
    %get3A_207 = arith.constant 4 : i32
    %get3A_208 = arith.index_cast %get3A_207 : i32 to index
    %get3A_209 = arith.index_cast %add3A_202 : i32 to index
    %get3A_210 = tpu.vector_load %arg6[%get3A_208, %get3A_209] {strides = array<i32>} : memref<16x128xf32, #tpu.memory_space<vmem>>, vector<16xf32>,
    tpu.vector_store_idx %arg8[%add3A_160, %get3A_206], %get3A_210 {add = true} : memref<64x128xf32, #tpu.memory_space<vmem>>[vector<16xi32>, vector<16xi32>], vector<16xf32>,
    %add3A_211 = arith.constant 16 : i32
    %add3A_212 = arith.addi %mul3A_33, %add3A_211 : i32
    %get3A_213 = arith.constant 5 : i32
    %get3A_214 = arith.index_cast %get3A_213 : i32 to index
    %get3A_215 = arith.index_cast %add3A_212 : i32 to index
    %get3A_216 = tpu.vector_load %arg7[%get3A_214, %get3A_215] {strides = array<i32>} : memref<10x128xi32, #tpu.memory_space<vmem>>, vector<16xi32>,
    %get3A_217 = arith.constant 5 : i32
    %get3A_218 = arith.index_cast %get3A_217 : i32 to index
    %get3A_219 = arith.index_cast %add3A_212 : i32 to index
    %get3A_220 = tpu.vector_load %arg6[%get3A_218, %get3A_219] {strides = array<i32>} : memref<16x128xf32, #tpu.memory_space<vmem>>, vector<16xf32>,
    tpu.vector_store_idx %arg8[%add3A_160, %get3A_216], %get3A_220 {add = true} : memref<64x128xf32, #tpu.memory_space<vmem>>[vector<16xi32>, vector<16xi32>], vector<16xf32>,
    %add3A_221 = arith.constant 16 : i32
    %add3A_222 = arith.addi %mul3A_33, %add3A_221 : i32
    %get3A_223 = arith.constant 6 : i32
    %get3A_224 = arith.index_cast %get3A_223 : i32 to index
    %get3A_225 = arith.index_cast %add3A_222 : i32 to index
    %get3A_226 = tpu.vector_load %arg7[%get3A_224, %get3A_225] {strides = array<i32>} : memref<10x128xi32, #tpu.memory_space<vmem>>, vector<16xi32>,
    %get3A_227 = arith.constant 6 : i32
    %get3A_228 = arith.index_cast %get3A_227 : i32 to index
    %get3A_229 = arith.index_cast %add3A_222 : i32 to index
    %get3A_230 = tpu.vector_load %arg6[%get3A_228, %get3A_229] {strides = array<i32>} : memref<16x128xf32, #tpu.memory_space<vmem>>, vector<16xf32>,
    tpu.vector_store_idx %arg8[%add3A_160, %get3A_226], %get3A_230 {add = true} : memref<64x128xf32, #tpu.memory_space<vmem>>[vector<16xi32>, vector<16xi32>], vector<16xf32>,
    %add3A_231 = arith.constant 16 : i32
    %add3A_232 = arith.addi %mul3A_33, %add3A_231 : i32
    %get3A_233 = arith.constant 7 : i32
    %get3A_234 = arith.index_cast %get3A_233 : i32 to index
    %get3A_235 = arith.index_cast %add3A_232 : i32 to index
    %get3A_236 = tpu.vector_load %arg7[%get3A_234, %get3A_235] {strides = array<i32>} : memref<10x128xi32, #tpu.memory_space<vmem>>, vector<16xi32>,
    %get3A_237 = arith.constant 7 : i32
    %get3A_238 = arith.index_cast %get3A_237 : i32 to index
    %get3A_239 = arith.index_cast %add3A_232 : i32 to index
    %get3A_240 = tpu.vector_load %arg6[%get3A_238, %get3A_239] {strides = array<i32>} : memref<16x128xf32, #tpu.memory_space<vmem>>, vector<16xf32>,
    tpu.vector_store_idx %arg8[%add3A_160, %get3A_236], %get3A_240 {add = true} : memref<64x128xf32, #tpu.memory_space<vmem>>[vector<16xi32>, vector<16xi32>], vector<16xf32>,
    %add3A_241 = arith.constant 16 : i32
    %add3A_242 = arith.addi %mul3A_33, %add3A_241 : i32
    %get3A_243 = arith.constant 8 : i32
    %get3A_244 = arith.index_cast %get3A_243 : i32 to index
    %get3A_245 = arith.index_cast %add3A_242 : i32 to index
    %get3A_246 = tpu.vector_load %arg7[%get3A_244, %get3A_245] {strides = array<i32>} : memref<10x128xi32, #tpu.memory_space<vmem>>, vector<16xi32>,
    %get3A_247 = arith.constant 8 : i32
    %get3A_248 = arith.index_cast %get3A_247 : i32 to index
    %get3A_249 = arith.index_cast %add3A_242 : i32 to index
    %get3A_250 = tpu.vector_load %arg6[%get3A_248, %get3A_249] {strides = array<i32>} : memref<16x128xf32, #tpu.memory_space<vmem>>, vector<16xf32>,
    tpu.vector_store_idx %arg8[%add3A_160, %get3A_246], %get3A_250 {add = true} : memref<64x128xf32, #tpu.memory_space<vmem>>[vector<16xi32>, vector<16xi32>], vector<16xf32>,
    %add3A_251 = arith.constant 16 : i32
    %add3A_252 = arith.addi %mul3A_33, %add3A_251 : i32
    %get3A_253 = arith.constant 9 : i32
    %get3A_254 = arith.index_cast %get3A_253 : i32 to index
    %get3A_255 = arith.index_cast %add3A_252 : i32 to index
    %get3A_256 = tpu.vector_load %arg7[%get3A_254, %get3A_255] {strides = array<i32>} : memref<10x128xi32, #tpu.memory_space<vmem>>, vector<16xi32>,
    %get3A_257 = arith.constant 9 : i32
    %get3A_258 = arith.index_cast %get3A_257 : i32 to index
    %get3A_259 = arith.index_cast %add3A_252 : i32 to index
    %get3A_260 = tpu.vector_load %arg6[%get3A_258, %get3A_259] {strides = array<i32>} : memref<16x128xf32, #tpu.memory_space<vmem>>, vector<16xf32>,
    tpu.vector_store_idx %arg8[%add3A_160, %get3A_256], %get3A_260 {add = true} : memref<64x128xf32, #tpu.memory_space<vmem>>[vector<16xi32>, vector<16xi32>], vector<16xf32>,
    %add3A_261 = arith.constant 32 : i32
    %add3A_262 = vector.broadcast %add3A_261 : i32 to vector<16xi32>
    %add3A_263 = arith.addi %add3A_262, %iota3A : vector<16xi32>
    %add3A_264 = arith.constant 32 : i32
    %add3A_265 = arith.addi %mul3A_33, %add3A_264 : i32
    %get3A_266 = arith.constant 0 : i32
    %get3A_267 = arith.index_cast %get3A_266 : i32 to index
    %get3A_268 = arith.index_cast %add3A_265 : i32 to index
    %get3A_269 = tpu.vector_load %arg7[%get3A_267, %get3A_268] {strides = array<i32>} : memref<10x128xi32, #tpu.memory_space<vmem>>, vector<16xi32>,
    %get3A_270 = arith.constant 0 : i32
    %get3A_271 = arith.index_cast %get3A_270 : i32 to index
    %get3A_272 = arith.index_cast %add3A_265 : i32 to index
    %get3A_273 = tpu.vector_load %arg6[%get3A_271, %get3A_272] {strides = array<i32>} : memref<16x128xf32, #tpu.memory_space<vmem>>, vector<16xf32>,
    tpu.vector_store_idx %arg8[%add3A_263, %get3A_269], %get3A_273 {add = true} : memref<64x128xf32, #tpu.memory_space<vmem>>[vector<16xi32>, vector<16xi32>], vector<16xf32>,
    %add3A_274 = arith.constant 32 : i32
    %add3A_275 = arith.addi %mul3A_33, %add3A_274 : i32
    %get3A_276 = arith.constant 1 : i32
    %get3A_277 = arith.index_cast %get3A_276 : i32 to index
    %get3A_278 = arith.index_cast %add3A_275 : i32 to index
    %get3A_279 = tpu.vector_load %arg7[%get3A_277, %get3A_278] {strides = array<i32>} : memref<10x128xi32, #tpu.memory_space<vmem>>, vector<16xi32>,
    %get3A_280 = arith.constant 1 : i32
    %get3A_281 = arith.index_cast %get3A_280 : i32 to index
    %get3A_282 = arith.index_cast %add3A_275 : i32 to index
    %get3A_283 = tpu.vector_load %arg6[%get3A_281, %get3A_282] {strides = array<i32>} : memref<16x128xf32, #tpu.memory_space<vmem>>, vector<16xf32>,
    tpu.vector_store_idx %arg8[%add3A_263, %get3A_279], %get3A_283 {add = true} : memref<64x128xf32, #tpu.memory_space<vmem>>[vector<16xi32>, vector<16xi32>], vector<16xf32>,
    %add3A_284 = arith.constant 32 : i32
    %add3A_285 = arith.addi %mul3A_33, %add3A_284 : i32
    %get3A_286 = arith.constant 2 : i32
    %get3A_287 = arith.index_cast %get3A_286 : i32 to index
    %get3A_288 = arith.index_cast %add3A_285 : i32 to index
    %get3A_289 = tpu.vector_load %arg7[%get3A_287, %get3A_288] {strides = array<i32>} : memref<10x128xi32, #tpu.memory_space<vmem>>, vector<16xi32>,
    %get3A_290 = arith.constant 2 : i32
    %get3A_291 = arith.index_cast %get3A_290 : i32 to index
    %get3A_292 = arith.index_cast %add3A_285 : i32 to index
    %get3A_293 = tpu.vector_load %arg6[%get3A_291, %get3A_292] {strides = array<i32>} : memref<16x128xf32, #tpu.memory_space<vmem>>, vector<16xf32>,
    tpu.vector_store_idx %arg8[%add3A_263, %get3A_289], %get3A_293 {add = true} : memref<64x128xf32, #tpu.memory_space<vmem>>[vector<16xi32>, vector<16xi32>], vector<16xf32>,
    %add3A_294 = arith.constant 32 : i32
    %add3A_295 = arith.addi %mul3A_33, %add3A_294 : i32
    %get3A_296 = arith.constant 3 : i32
    %get3A_297 = arith.index_cast %get3A_296 : i32 to index
    %get3A_298 = arith.index_cast %add3A_295 : i32 to index
    %get3A_299 = tpu.vector_load %arg7[%get3A_297, %get3A_298] {strides = array<i32>} : memref<10x128xi32, #tpu.memory_space<vmem>>, vector<16xi32>,
    %get3A_300 = arith.constant 3 : i32
    %get3A_301 = arith.index_cast %get3A_300 : i32 to index
    %get3A_302 = arith.index_cast %add3A_295 : i32 to index
    %get3A_303 = tpu.vector_load %arg6[%get3A_301, %get3A_302] {strides = array<i32>} : memref<16x128xf32, #tpu.memory_space<vmem>>, vector<16xf32>,
    tpu.vector_store_idx %arg8[%add3A_263, %get3A_299], %get3A_303 {add = true} : memref<64x128xf32, #tpu.memory_space<vmem>>[vector<16xi32>, vector<16xi32>], vector<16xf32>,
    %add3A_304 = arith.constant 32 : i32
    %add3A_305 = arith.addi %mul3A_33, %add3A_304 : i32
    %get3A_306 = arith.constant 4 : i32
    %get3A_307 = arith.index_cast %get3A_306 : i32 to index
    %get3A_308 = arith.index_cast %add3A_305 : i32 to index
    %get3A_309 = tpu.vector_load %arg7[%get3A_307, %get3A_308] {strides = array<i32>} : memref<10x128xi32, #tpu.memory_space<vmem>>, vector<16xi32>,
    %get3A_310 = arith.constant 4 : i32
    %get3A_311 = arith.index_cast %get3A_310 : i32 to index
    %get3A_312 = arith.index_cast %add3A_305 : i32 to index
    %get3A_313 = tpu.vector_load %arg6[%get3A_311, %get3A_312] {strides = array<i32>} : memref<16x128xf32, #tpu.memory_space<vmem>>, vector<16xf32>,
    tpu.vector_store_idx %arg8[%add3A_263, %get3A_309], %get3A_313 {add = true} : memref<64x128xf32, #tpu.memory_space<vmem>>[vector<16xi32>, vector<16xi32>], vector<16xf32>,
    %add3A_314 = arith.constant 32 : i32
    %add3A_315 = arith.addi %mul3A_33, %add3A_314 : i32
    %get3A_316 = arith.constant 5 : i32
    %get3A_317 = arith.index_cast %get3A_316 : i32 to index
    %get3A_318 = arith.index_cast %add3A_315 : i32 to index
    %get3A_319 = tpu.vector_load %arg7[%get3A_317, %get3A_318] {strides = array<i32>} : memref<10x128xi32, #tpu.memory_space<vmem>>, vector<16xi32>,
    %get3A_320 = arith.constant 5 : i32
    %get3A_321 = arith.index_cast %get3A_320 : i32 to index
    %get3A_322 = arith.index_cast %add3A_315 : i32 to index
    %get3A_323 = tpu.vector_load %arg6[%get3A_321, %get3A_322] {strides = array<i32>} : memref<16x128xf32, #tpu.memory_space<vmem>>, vector<16xf32>,
    tpu.vector_store_idx %arg8[%add3A_263, %get3A_319], %get3A_323 {add = true} : memref<64x128xf32, #tpu.memory_space<vmem>>[vector<16xi32>, vector<16xi32>], vector<16xf32>,
    %add3A_324 = arith.constant 32 : i32
    %add3A_325 = arith.addi %mul3A_33, %add3A_324 : i32
    %get3A_326 = arith.constant 6 : i32
    %get3A_327 = arith.index_cast %get3A_326 : i32 to index
    %get3A_328 = arith.index_cast %add3A_325 : i32 to index
    %get3A_329 = tpu.vector_load %arg7[%get3A_327, %get3A_328] {strides = array<i32>} : memref<10x128xi32, #tpu.memory_space<vmem>>, vector<16xi32>,
    %get3A_330 = arith.constant 6 : i32
    %get3A_331 = arith.index_cast %get3A_330 : i32 to index
    %get3A_332 = arith.index_cast %add3A_325 : i32 to index
    %get3A_333 = tpu.vector_load %arg6[%get3A_331, %get3A_332] {strides = array<i32>} : memref<16x128xf32, #tpu.memory_space<vmem>>, vector<16xf32>,
    tpu.vector_store_idx %arg8[%add3A_263, %get3A_329], %get3A_333 {add = true} : memref<64x128xf32, #tpu.memory_space<vmem>>[vector<16xi32>, vector<16xi32>], vector<16xf32>,
    %add3A_334 = arith.constant 32 : i32
    %add3A_335 = arith.addi %mul3A_33, %add3A_334 : i32
    %get3A_336 = arith.constant 7 : i32
    %get3A_337 = arith.index_cast %get3A_336 : i32 to index
    %get3A_338 = arith.index_cast %add3A_335 : i32 to index
    %get3A_339 = tpu.vector_load %arg7[%get3A_337, %get3A_338] {strides = array<i32>} : memref<10x128xi32, #tpu.memory_space<vmem>>, vector<16xi32>,
    %get3A_340 = arith.constant 7 : i32
    %get3A_341 = arith.index_cast %get3A_340 : i32 to index
    %get3A_342 = arith.index_cast %add3A_335 : i32 to index
    %get3A_343 = tpu.vector_load %arg6[%get3A_341, %get3A_342] {strides = array<i32>} : memref<16x128xf32, #tpu.memory_space<vmem>>, vector<16xf32>,
    tpu.vector_store_idx %arg8[%add3A_263, %get3A_339], %get3A_343 {add = true} : memref<64x128xf32, #tpu.memory_space<vmem>>[vector<16xi32>, vector<16xi32>], vector<16xf32>,
    %add3A_344 = arith.constant 32 : i32
    %add3A_345 = arith.addi %mul3A_33, %add3A_344 : i32
    %get3A_346 = arith.constant 8 : i32
    %get3A_347 = arith.index_cast %get3A_346 : i32 to index
    %get3A_348 = arith.index_cast %add3A_345 : i32 to index
    %get3A_349 = tpu.vector_load %arg7[%get3A_347, %get3A_348] {strides = array<i32>} : memref<10x128xi32, #tpu.memory_space<vmem>>, vector<16xi32>,
    %get3A_350 = arith.constant 8 : i32
    %get3A_351 = arith.index_cast %get3A_350 : i32 to index
    %get3A_352 = arith.index_cast %add3A_345 : i32 to index
    %get3A_353 = tpu.vector_load %arg6[%get3A_351, %get3A_352] {strides = array<i32>} : memref<16x128xf32, #tpu.memory_space<vmem>>, vector<16xf32>,
    tpu.vector_store_idx %arg8[%add3A_263, %get3A_349], %get3A_353 {add = true} : memref<64x128xf32, #tpu.memory_space<vmem>>[vector<16xi32>, vector<16xi32>], vector<16xf32>,
    %add3A_354 = arith.constant 32 : i32
    %add3A_355 = arith.addi %mul3A_33, %add3A_354 : i32
    %get3A_356 = arith.constant 9 : i32
    %get3A_357 = arith.index_cast %get3A_356 : i32 to index
    %get3A_358 = arith.index_cast %add3A_355 : i32 to index
    %get3A_359 = tpu.vector_load %arg7[%get3A_357, %get3A_358] {strides = array<i32>} : memref<10x128xi32, #tpu.memory_space<vmem>>, vector<16xi32>,
    %get3A_360 = arith.constant 9 : i32
    %get3A_361 = arith.index_cast %get3A_360 : i32 to index
    %get3A_362 = arith.index_cast %add3A_355 : i32 to index
    %get3A_363 = tpu.vector_load %arg6[%get3A_361, %get3A_362] {strides = array<i32>} : memref<16x128xf32, #tpu.memory_space<vmem>>, vector<16xf32>,
    tpu.vector_store_idx %arg8[%add3A_263, %get3A_359], %get3A_363 {add = true} : memref<64x128xf32, #tpu.memory_space<vmem>>[vector<16xi32>, vector<16xi32>], vector<16xf32>,
    %add3A_364 = arith.constant 48 : i32
    %add3A_365 = vector.broadcast %add3A_364 : i32 to vector<16xi32>
    %add3A_366 = arith.addi %add3A_365, %iota3A : vector<16xi32>
    %add3A_367 = arith.constant 48 : i32
    %add3A_368 = arith.addi %mul3A_33, %add3A_367 : i32
    %get3A_369 = arith.constant 0 : i32
    %get3A_370 = arith.index_cast %get3A_369 : i32 to index
    %get3A_371 = arith.index_cast %add3A_368 : i32 to index
    %get3A_372 = tpu.vector_load %arg7[%get3A_370, %get3A_371] {strides = array<i32>} : memref<10x128xi32, #tpu.memory_space<vmem>>, vector<16xi32>,
    %get3A_373 = arith.constant 0 : i32
    %get3A_374 = arith.index_cast %get3A_373 : i32 to index
    %get3A_375 = arith.index_cast %add3A_368 : i32 to index
    %get3A_376 = tpu.vector_load %arg6[%get3A_374, %get3A_375] {strides = array<i32>} : memref<16x128xf32, #tpu.memory_space<vmem>>, vector<16xf32>,
    tpu.vector_store_idx %arg8[%add3A_366, %get3A_372], %get3A_376 {add = true} : memref<64x128xf32, #tpu.memory_space<vmem>>[vector<16xi32>, vector<16xi32>], vector<16xf32>,
    %add3A_377 = arith.constant 48 : i32
    %add3A_378 = arith.addi %mul3A_33, %add3A_377 : i32
    %get3A_379 = arith.constant 1 : i32
    %get3A_380 = arith.index_cast %get3A_379 : i32 to index
    %get3A_381 = arith.index_cast %add3A_378 : i32 to index
    %get3A_382 = tpu.vector_load %arg7[%get3A_380, %get3A_381] {strides = array<i32>} : memref<10x128xi32, #tpu.memory_space<vmem>>, vector<16xi32>,
    %get3A_383 = arith.constant 1 : i32
    %get3A_384 = arith.index_cast %get3A_383 : i32 to index
    %get3A_385 = arith.index_cast %add3A_378 : i32 to index
    %get3A_386 = tpu.vector_load %arg6[%get3A_384, %get3A_385] {strides = array<i32>} : memref<16x128xf32, #tpu.memory_space<vmem>>, vector<16xf32>,
    tpu.vector_store_idx %arg8[%add3A_366, %get3A_382], %get3A_386 {add = true} : memref<64x128xf32, #tpu.memory_space<vmem>>[vector<16xi32>, vector<16xi32>], vector<16xf32>,
    %add3A_387 = arith.constant 48 : i32
    %add3A_388 = arith.addi %mul3A_33, %add3A_387 : i32
    %get3A_389 = arith.constant 2 : i32
    %get3A_390 = arith.index_cast %get3A_389 : i32 to index
    %get3A_391 = arith.index_cast %add3A_388 : i32 to index
    %get3A_392 = tpu.vector_load %arg7[%get3A_390, %get3A_391] {strides = array<i32>} : memref<10x128xi32, #tpu.memory_space<vmem>>, vector<16xi32>,
    %get3A_393 = arith.constant 2 : i32
    %get3A_394 = arith.index_cast %get3A_393 : i32 to index
    %get3A_395 = arith.index_cast %add3A_388 : i32 to index
    %get3A_396 = tpu.vector_load %arg6[%get3A_394, %get3A_395] {strides = array<i32>} : memref<16x128xf32, #tpu.memory_space<vmem>>, vector<16xf32>,
    tpu.vector_store_idx %arg8[%add3A_366, %get3A_392], %get3A_396 {add = true} : memref<64x128xf32, #tpu.memory_space<vmem>>[vector<16xi32>, vector<16xi32>], vector<16xf32>,
    %add3A_397 = arith.constant 48 : i32
    %add3A_398 = arith.addi %mul3A_33, %add3A_397 : i32
    %get3A_399 = arith.constant 3 : i32
    %get3A_400 = arith.index_cast %get3A_399 : i32 to index
    %get3A_401 = arith.index_cast %add3A_398 : i32 to index
    %get3A_402 = tpu.vector_load %arg7[%get3A_400, %get3A_401] {strides = array<i32>} : memref<10x128xi32, #tpu.memory_space<vmem>>, vector<16xi32>,
    %get3A_403 = arith.constant 3 : i32
    %get3A_404 = arith.index_cast %get3A_403 : i32 to index
    %get3A_405 = arith.index_cast %add3A_398 : i32 to index
    %get3A_406 = tpu.vector_load %arg6[%get3A_404, %get3A_405] {strides = array<i32>} : memref<16x128xf32, #tpu.memory_space<vmem>>, vector<16xf32>,
    tpu.vector_store_idx %arg8[%add3A_366, %get3A_402], %get3A_406 {add = true} : memref<64x128xf32, #tpu.memory_space<vmem>>[vector<16xi32>, vector<16xi32>], vector<16xf32>,
    %add3A_407 = arith.constant 48 : i32
    %add3A_408 = arith.addi %mul3A_33, %add3A_407 : i32
    %get3A_409 = arith.constant 4 : i32
    %get3A_410 = arith.index_cast %get3A_409 : i32 to index
    %get3A_411 = arith.index_cast %add3A_408 : i32 to index
    %get3A_412 = tpu.vector_load %arg7[%get3A_410, %get3A_411] {strides = array<i32>} : memref<10x128xi32, #tpu.memory_space<vmem>>, vector<16xi32>,
    %get3A_413 = arith.constant 4 : i32
    %get3A_414 = arith.index_cast %get3A_413 : i32 to index
    %get3A_415 = arith.index_cast %add3A_408 : i32 to index
    %get3A_416 = tpu.vector_load %arg6[%get3A_414, %get3A_415] {strides = array<i32>} : memref<16x128xf32, #tpu.memory_space<vmem>>, vector<16xf32>,
    tpu.vector_store_idx %arg8[%add3A_366, %get3A_412], %get3A_416 {add = true} : memref<64x128xf32, #tpu.memory_space<vmem>>[vector<16xi32>, vector<16xi32>], vector<16xf32>,
    %add3A_417 = arith.constant 48 : i32
    %add3A_418 = arith.addi %mul3A_33, %add3A_417 : i32
    %get3A_419 = arith.constant 5 : i32
    %get3A_420 = arith.index_cast %get3A_419 : i32 to index
    %get3A_421 = arith.index_cast %add3A_418 : i32 to index
    %get3A_422 = tpu.vector_load %arg7[%get3A_420, %get3A_421] {strides = array<i32>} : memref<10x128xi32, #tpu.memory_space<vmem>>, vector<16xi32>,
    %get3A_423 = arith.constant 5 : i32
    %get3A_424 = arith.index_cast %get3A_423 : i32 to index
    %get3A_425 = arith.index_cast %add3A_418 : i32 to index
    %get3A_426 = tpu.vector_load %arg6[%get3A_424, %get3A_425] {strides = array<i32>} : memref<16x128xf32, #tpu.memory_space<vmem>>, vector<16xf32>,
    tpu.vector_store_idx %arg8[%add3A_366, %get3A_422], %get3A_426 {add = true} : memref<64x128xf32, #tpu.memory_space<vmem>>[vector<16xi32>, vector<16xi32>], vector<16xf32>,
    %add3A_427 = arith.constant 48 : i32
    %add3A_428 = arith.addi %mul3A_33, %add3A_427 : i32
    %get3A_429 = arith.constant 6 : i32
    %get3A_430 = arith.index_cast %get3A_429 : i32 to index
    %get3A_431 = arith.index_cast %add3A_428 : i32 to index
    %get3A_432 = tpu.vector_load %arg7[%get3A_430, %get3A_431] {strides = array<i32>} : memref<10x128xi32, #tpu.memory_space<vmem>>, vector<16xi32>,
    %get3A_433 = arith.constant 6 : i32
    %get3A_434 = arith.index_cast %get3A_433 : i32 to index
    %get3A_435 = arith.index_cast %add3A_428 : i32 to index
    %get3A_436 = tpu.vector_load %arg6[%get3A_434, %get3A_435] {strides = array<i32>} : memref<16x128xf32, #tpu.memory_space<vmem>>, vector<16xf32>,
    tpu.vector_store_idx %arg8[%add3A_366, %get3A_432], %get3A_436 {add = true} : memref<64x128xf32, #tpu.memory_space<vmem>>[vector<16xi32>, vector<16xi32>], vector<16xf32>,
    %add3A_437 = arith.constant 48 : i32
    %add3A_438 = arith.addi %mul3A_33, %add3A_437 : i32
    %get3A_439 = arith.constant 7 : i32
    %get3A_440 = arith.index_cast %get3A_439 : i32 to index
    %get3A_441 = arith.index_cast %add3A_438 : i32 to index
    %get3A_442 = tpu.vector_load %arg7[%get3A_440, %get3A_441] {strides = array<i32>} : memref<10x128xi32, #tpu.memory_space<vmem>>, vector<16xi32>,
    %get3A_443 = arith.constant 7 : i32
    %get3A_444 = arith.index_cast %get3A_443 : i32 to index
    %get3A_445 = arith.index_cast %add3A_438 : i32 to index
    %get3A_446 = tpu.vector_load %arg6[%get3A_444, %get3A_445] {strides = array<i32>} : memref<16x128xf32, #tpu.memory_space<vmem>>, vector<16xf32>,
    tpu.vector_store_idx %arg8[%add3A_366, %get3A_442], %get3A_446 {add = true} : memref<64x128xf32, #tpu.memory_space<vmem>>[vector<16xi32>, vector<16xi32>], vector<16xf32>,
    %add3A_447 = arith.constant 48 : i32
    %add3A_448 = arith.addi %mul3A_33, %add3A_447 : i32
    %get3A_449 = arith.constant 8 : i32
    %get3A_450 = arith.index_cast %get3A_449 : i32 to index
    %get3A_451 = arith.index_cast %add3A_448 : i32 to index
    %get3A_452 = tpu.vector_load %arg7[%get3A_450, %get3A_451] {strides = array<i32>} : memref<10x128xi32, #tpu.memory_space<vmem>>, vector<16xi32>,
    %get3A_453 = arith.constant 8 : i32
    %get3A_454 = arith.index_cast %get3A_453 : i32 to index
    %get3A_455 = arith.index_cast %add3A_448 : i32 to index
    %get3A_456 = tpu.vector_load %arg6[%get3A_454, %get3A_455] {strides = array<i32>} : memref<16x128xf32, #tpu.memory_space<vmem>>, vector<16xf32>,
    tpu.vector_store_idx %arg8[%add3A_366, %get3A_452], %get3A_456 {add = true} : memref<64x128xf32, #tpu.memory_space<vmem>>[vector<16xi32>, vector<16xi32>], vector<16xf32>,
    %add3A_457 = arith.constant 48 : i32
    %add3A_458 = arith.addi %mul3A_33, %add3A_457 : i32
    %get3A_459 = arith.constant 9 : i32
    %get3A_460 = arith.index_cast %get3A_459 : i32 to index
    %get3A_461 = arith.index_cast %add3A_458 : i32 to index
    %get3A_462 = tpu.vector_load %arg7[%get3A_460, %get3A_461] {strides = array<i32>} : memref<10x128xi32, #tpu.memory_space<vmem>>, vector<16xi32>,
    %get3A_463 = arith.constant 9 : i32
    %get3A_464 = arith.index_cast %get3A_463 : i32 to index
    %get3A_465 = arith.index_cast %add3A_458 : i32 to index
    %get3A_466 = tpu.vector_load %arg6[%get3A_464, %get3A_465] {strides = array<i32>} : memref<16x128xf32, #tpu.memory_space<vmem>>, vector<16xf32>,
    tpu.vector_store_idx %arg8[%add3A_366, %get3A_462], %get3A_466 {add = true} : memref<64x128xf32, #tpu.memory_space<vmem>>[vector<16xi32>, vector<16xi32>], vector<16xf32>,
    %dma_start3A_467 = arith.constant 0 : i32
    %dma_start3A_468 = tpu.memref_slice %arg5[%mul3A_0, %dma_start3A_467] : memref<1024x128xf32, #tpu.memory_space<hbm>> -> memref<64x128xf32, #tpu.memory_space<hbm>>
    %dma_start3A_469 = arith.constant 0 : i32
    %dma_start3A_470 = tpu.memref_slice %arg5[%mul3A_0, %dma_start3A_469] : memref<1024x128xf32, #tpu.memory_space<hbm>> -> memref<64x128xf32, #tpu.memory_space<hbm>>
    tpu.enqueue_dma source(%arg8 : memref<64x128xf32, #tpu.memory_space<vmem>>) target(%dma_start3A_470 : memref<64x128xf32, #tpu.memory_space<hbm>>) target_semaphore(%arg9 : memref<!tpu.dma_semaphore, #tpu.memory_space<semaphore_mem>>)
    %dma_wait3A_471 = arith.constant 0 : i32
    %dma_wait3A_472 = tpu.memref_slice %arg5[%mul3A_0, %dma_wait3A_471] : memref<1024x128xf32, #tpu.memory_space<hbm>> -> memref<64x128xf32, #tpu.memory_space<hbm>>
    %dma_wait3A_473 = arith.constant 0 : i32
    %dma_wait3A_474 = tpu.memref_slice %arg5[%mul3A_0, %dma_wait3A_473] : memref<1024x128xf32, #tpu.memory_space<hbm>> -> memref<64x128xf32, #tpu.memory_space<hbm>>
    tpu.wait_dma2 semaphore(%arg9 : memref<!tpu.dma_semaphore, #tpu.memory_space<semaphore_mem>>) src(%arg8 : memref<64x128xf32, #tpu.memory_space<vmem>>) dst(%dma_wait3A_474 : memref<64x128xf32, #tpu.memory_space<hbm>>)
    return
  }
}

module attributes {stable_mosaic.version = 14 : i64} {
  func.func @_tc_body(%arg0: i32, %arg1: memref<512x256xf32, #tpu.memory_space<vmem>>, %arg2: memref<10x512x256xf32, #tpu.memory_space<vmem>>, %arg3: memref<256x128xf32, #tpu.memory_space<vmem>>, %arg4: memref<128xf32, #tpu.memory_space<vmem>>, %arg5: memref<256x256xf32, #tpu.memory_space<vmem>>, %arg6: memref<512x128xf32, #tpu.memory_space<vmem>>, %arg7: memref<16x512xf32, #tpu.memory_space<vmem>>) attributes {dimension_semantics = [#tpu.dimension_semantics<arbitrary>], iteration_bounds = array<i64: 2>, scalar_prefetch = 0 : i64, scratch_operands = 0 : i64, tpu.core_type = #tpu.core_type<tc>, window_params = [{transform_indices = @transform_0, window_bounds = array<i64: 512, 256>}, {transform_indices = @transform_1, window_bounds = array<i64: 10, 512, 256>}, {pipeline_mode = #tpu.pipeline_mode<synchronous>, transform_indices = @transform_2, window_bounds = array<i64: 256, 128>}, {pipeline_mode = #tpu.pipeline_mode<synchronous>, transform_indices = @transform_3, window_bounds = array<i64: 128>}, {pipeline_mode = #tpu.pipeline_mode<synchronous>, transform_indices = @transform_4, window_bounds = array<i64: 256, 256>}, {transform_indices = @transform_5, window_bounds = array<i64: 512, 128>}, {transform_indices = @transform_6, window_bounds = array<i64: 16, 512>}]} {
    %get3A = arith.constant 0 : index
    %get3A_0 = arith.constant 0 : index
    %get3A_1 = vector.load %arg1[%get3A, %get3A_0] : memref<512x256xf32, #tpu.memory_space<vmem>>, vector<512x256xf32>
    %get3A_2 = arith.constant 0 : index
    %get3A_3 = arith.constant 0 : index
    %get3A_4 = vector.load %arg3[%get3A_2, %get3A_3] : memref<256x128xf32, #tpu.memory_space<vmem>>, vector<256x128xf32>
    %dot_general3A = arith.constant dense<0.000000e+00> : vector<512x128xf32>
    %dot_general3A_5 = tpu.matmul %get3A_1, %get3A_4, %dot_general3A {dimension_numbers = #tpu.dot_dimension_numbers<[1], [0], [0], [1], [0, 0, 1, 1], [], []>, transpose_lhs_hint = false} : vector<512x256xf32>, vector<256x128xf32>, vector<512x128xf32> -> vector<512x128xf32>
    %get3A_6 = arith.constant 0 : index
    %get3A_7 = vector.load %arg4[%get3A_6] : memref<128xf32, #tpu.memory_space<vmem>>, vector<128xf32>
    %broadcast_in_dim3A = vector.shape_cast %get3A_7 : vector<128xf32> to vector<1x128xf32>
    %add3A = vector.broadcast %broadcast_in_dim3A : vector<1x128xf32> to vector<512x128xf32>
    %add3A_8 = arith.addf %dot_general3A_5, %add3A : vector<512x128xf32>
    %reduce_max3A = arith.constant dense<0xFF800000> : vector<512xf32>
    %reduce_max3A_9 = vector.multi_reduction <maximumf>, %add3A_8, %reduce_max3A [1] : vector<512x128xf32> to vector<512xf32>
    %broadcast_in_dim3A_10 = vector.shape_cast %reduce_max3A_9 : vector<512xf32> to vector<512x1xf32>
    %sub3A = vector.broadcast %broadcast_in_dim3A_10 : vector<512x1xf32> to vector<512x128xf32>
    %sub3A_11 = arith.subf %add3A_8, %sub3A : vector<512x128xf32>
    %exp3A = math.exp %sub3A_11 : vector<512x128xf32>
    %reduce_sum3A = arith.constant dense<0.000000e+00> : vector<512xf32>
    %reduce_sum3A_12 = vector.multi_reduction <add>, %exp3A, %reduce_sum3A [1] : vector<512x128xf32> to vector<512xf32>
    %broadcast_in_dim3A_13 = vector.shape_cast %reduce_sum3A_12 : vector<512xf32> to vector<512x1xf32>
    %div3A = vector.broadcast %broadcast_in_dim3A_13 : vector<512x1xf32> to vector<512x128xf32>
    %div3A_14 = arith.divf %exp3A, %div3A : vector<512x128xf32>
    %get3A_15 = arith.constant 0 : index
    %get3A_16 = arith.constant 0 : index
    %get3A_17 = vector.load %arg5[%get3A_15, %get3A_16] : memref<256x256xf32, #tpu.memory_space<vmem>>, vector<256x256xf32>
    %dot_general3A_18 = arith.constant dense<0.000000e+00> : vector<512x256xf32>
    %dot_general3A_19 = tpu.matmul %get3A_1, %get3A_17, %dot_general3A_18 {dimension_numbers = #tpu.dot_dimension_numbers<[1], [0], [0], [1], [0, 0, 1, 1], [], []>, transpose_lhs_hint = false} : vector<512x256xf32>, vector<256x256xf32>, vector<512x256xf32> -> vector<512x256xf32>
    %mul3A = arith.mulf %dot_general3A_19, %get3A_1 : vector<512x256xf32>
    %reduce_sum3A_20 = arith.constant dense<0.000000e+00> : vector<512xf32>
    %reduce_sum3A_21 = vector.multi_reduction <add>, %mul3A, %reduce_sum3A_20 [1] : vector<512x256xf32> to vector<512xf32>
    %get3A_22 = arith.constant 0 : index
    %get3A_23 = arith.constant 0 : index
    %get3A_24 = arith.constant 0 : index
    %get3A_25 = vector.load %arg2[%get3A_22, %get3A_23, %get3A_24] : memref<10x512x256xf32, #tpu.memory_space<vmem>>, vector<10x512x256xf32>
    %broadcast_in_dim3A_26 = vector.shape_cast %dot_general3A_19 : vector<512x256xf32> to vector<1x512x256xf32>
    %mul3A_27 = vector.broadcast %broadcast_in_dim3A_26 : vector<1x512x256xf32> to vector<10x512x256xf32>
    %mul3A_28 = arith.mulf %get3A_25, %mul3A_27 : vector<10x512x256xf32>
    %reduce_sum3A_29 = arith.constant dense<0.000000e+00> : vector<10x512xf32>
    %reduce_sum3A_30 = vector.multi_reduction <add>, %mul3A_28, %reduce_sum3A_29 [2] : vector<10x512x256xf32> to vector<10x512xf32>
    %broadcast_in_dim3A_31 = vector.shape_cast %reduce_sum3A_21 : vector<512xf32> to vector<1x512xf32>
    %concatenate3A = tpu.concatenate %broadcast_in_dim3A_31, %reduce_sum3A_30 in 0 : vector<1x512xf32>, vector<10x512xf32> -> vector<11x512xf32>
    %reduce_max3A_32 = arith.constant dense<0xFF800000> : vector<512xf32>
    %reduce_max3A_33 = vector.multi_reduction <maximumf>, %concatenate3A, %reduce_max3A_32 [0] : vector<11x512xf32> to vector<512xf32>
    %broadcast_in_dim3A_34 = vector.shape_cast %reduce_max3A_33 : vector<512xf32> to vector<1x512xf32>
    %sub3A_35 = vector.broadcast %broadcast_in_dim3A_34 : vector<1x512xf32> to vector<11x512xf32>
    %sub3A_36 = arith.subf %concatenate3A, %sub3A_35 : vector<11x512xf32>
    %exp3A_37 = math.exp %sub3A_36 : vector<11x512xf32>
    %reduce_sum3A_38 = arith.constant dense<0.000000e+00> : vector<512xf32>
    %reduce_sum3A_39 = vector.multi_reduction <add>, %exp3A_37, %reduce_sum3A_38 [0] : vector<11x512xf32> to vector<512xf32>
    %broadcast_in_dim3A_40 = vector.shape_cast %reduce_sum3A_39 : vector<512xf32> to vector<1x512xf32>
    %div3A_41 = arith.constant 1.280000e+02 : f32
    %div3A_42 = vector.broadcast %div3A_41 : f32 to vector<1x512xf32>
    %div3A_43 = arith.divf %div3A_42, %broadcast_in_dim3A_40 : vector<1x512xf32>
    %mul3A_44 = vector.broadcast %div3A_43 : vector<1x512xf32> to vector<11x512xf32>
    %mul3A_45 = arith.mulf %exp3A_37, %mul3A_44 : vector<11x512xf32>
    %slice3A = vector.extract_strided_slice %mul3A_45 {offsets = [0, 0], sizes = [1, 512], strides = [1, 1]} : vector<11x512xf32> to vector<1x512xf32>
    %squeeze3A = vector.shape_cast %slice3A : vector<1x512xf32> to vector<512xf32>
    %broadcast_in_dim3A_46 = vector.shape_cast %squeeze3A : vector<512xf32> to vector<512x1xf32>
    %mul3A_47 = vector.broadcast %broadcast_in_dim3A_46 : vector<512x1xf32> to vector<512x128xf32>
    %mul3A_48 = arith.mulf %mul3A_47, %div3A_14 : vector<512x128xf32>
    %swap3A = arith.constant 0 : index
    %swap3A_49 = arith.constant 0 : index
    %swap3A_50 = vector.load %arg6[%swap3A, %swap3A_49] : memref<512x128xf32, #tpu.memory_space<vmem>>, vector<512x128xf32>
    tpu.vector_store %arg6[%swap3A, %swap3A_49], %mul3A_48 {strides = array<i32>} : memref<512x128xf32, #tpu.memory_space<vmem>>, vector<512x128xf32>,
    %slice3A_51 = vector.extract_strided_slice %mul3A_45 {offsets = [1, 0], sizes = [10, 512], strides = [1, 1]} : vector<11x512xf32> to vector<10x512xf32>
    %broadcast_in_dim3A_52 = arith.constant 0.000000e+00 : f32
    %broadcast_in_dim3A_53 = vector.broadcast %broadcast_in_dim3A_52 : f32 to vector<6x512xf32>
    %concatenate3A_54 = tpu.concatenate %slice3A_51, %broadcast_in_dim3A_53 in 0 : vector<10x512xf32>, vector<6x512xf32> -> vector<16x512xf32>
    %swap3A_55 = arith.constant 0 : index
    %swap3A_56 = arith.constant 0 : index
    %swap3A_57 = vector.load %arg7[%swap3A_55, %swap3A_56] : memref<16x512xf32, #tpu.memory_space<vmem>>, vector<16x512xf32>
    tpu.vector_store %arg7[%swap3A_55, %swap3A_56], %concatenate3A_54 {strides = array<i32>} : memref<16x512xf32, #tpu.memory_space<vmem>>, vector<16x512xf32>,
    return
  }
  func.func @transform_0(%arg0: i32) -> (i32, i32) {
    %c0_i32 = arith.constant 0 : i32
    %c0_i32_0 = arith.constant 0 : i32
    return %arg0, %c0_i32 : i32, i32
  }
  func.func @transform_1(%arg0: i32) -> (i32, i32, i32) {
    %c0_i32 = arith.constant 0 : i32
    %c0_i32_0 = arith.constant 0 : i32
    %c0_i32_1 = arith.constant 0 : i32
    return %c0_i32, %arg0, %c0_i32_0 : i32, i32, i32
  }
  func.func @transform_2(%arg0: i32) -> (i32, i32) {
    %c0_i32 = arith.constant 0 : i32
    %c0_i32_0 = arith.constant 0 : i32
    %c0_i32_1 = arith.constant 0 : i32
    return %c0_i32, %c0_i32_0 : i32, i32
  }
  func.func @transform_3(%arg0: i32) -> i32 {
    %c0_i32 = arith.constant 0 : i32
    %c0_i32_0 = arith.constant 0 : i32
    return %c0_i32 : i32
  }
  func.func @transform_4(%arg0: i32) -> (i32, i32) {
    %c0_i32 = arith.constant 0 : i32
    %c0_i32_0 = arith.constant 0 : i32
    %c0_i32_1 = arith.constant 0 : i32
    return %c0_i32, %c0_i32_0 : i32, i32
  }
  func.func @transform_5(%arg0: i32) -> (i32, i32) {
    %c0_i32 = arith.constant 0 : i32
    %c0_i32_0 = arith.constant 0 : i32
    return %arg0, %c0_i32 : i32, i32
  }
  func.func @transform_6(%arg0: i32) -> (i32, i32) {
    %c0_i32 = arith.constant 0 : i32
    %c0_i32_0 = arith.constant 0 : i32
    return %c0_i32, %arg0 : i32, i32
  }
}

</mosaic_0001>

<sc_bundles>
// kernel: _run.4.cloned.1.call-start
scs
__scs_entry_jumppad:
0x0: {  	(pc) =	sbr.rel $0x88, $3  }
0x1: {  	(tag) =	ssettag $0x0;
	lr =	simm.s32 $0x1  }
0x2: {  	[smem:$0x3F9B] =	sst lr;
	_ =	strace $0xD0000000  }
0x3: {  	_ = 	snop  }
0x4: {  	_ = 	snop  }
0x5: {  	_ = 	snop  }
0x6: {  	_ = 	snop  }
0x7: {  	_ = 	snop  }
__scs_overlays_trampoline_lowered:
0x8: {  	[smem:$0x3FAA] =	sst s0  }
0x9: {  	[smem:$0x3FAB] =	sst s1  }
0xa: {  	[smem:$0x3FAC] =	sst s2  }
0xb: {  	[smem:$0x3FAD] =	sst s3  }
0xc: {  	[smem:$0x3FAE] =	sst s4  }
0xd: {  	[smem:$0x3FAF] =	sst s5  }
0xe: {  	[smem:$0x3FB0] =	sst s6  }
0xf: {  	[smem:$0x3FB1] =	sst s7  }
0x10: {  	[smem:$0x3FB2] =	sst s8  }
0x11: {  	[smem:$0x3FB3] =	sst s9;
	s0 =	simm.s32 @!p0 $0x0  }
0x12: {  	s1 =	sld [smem:$0x3F99];
	s0 =	simm.s32 @p0 $0x1  }
0x13: {  	[smem:$0x3FB4] =	sst s0;
	s0 =	simm.s32 @!p1 $0x0  }
0x14: {  	s2 =	sld [smem:$0x3F98];
	s0 =	simm.s32 @p1 $0x1  }
0x15: {  	[smem:$0x3FB5] =	sst s0;
	s0 =	simm.s32 @!p2 $0x0  }
0x16: {  	s3 =	sld [smem:$0x3FDB];
	s0 =	simm.s32 @p2 $0x1  }
0x17: {  	s4 =	simm.s32 $0x1BF5;
	[smem:$0x3FB7] =	sst s0  }
0x18: {  	s0 =	sld [smem:$0x3F9A];
	_ =	swait.ge [sflag:s4], $0x0  }
0x19: {  	s7 =	sld [smem:$0x3F9B]  }
0x1a: {  	s8 =	sadd.s32 $0xFFFFE003, lr  }
0x1b: {  	s9 =	sadd.s32 $0xFFFFFEF7, lr;
	s5 =	simm.s32 $0xFFFFFFFF;
	p2 =	slt.u32 s8, $0xFFFFF086  }
0x1c: {  	p1 =	slt.u32 s9, $0xF7A;
	s5 =	simm.s32 @!p2 $0x0  }
0x1d: {  	s5 =	simm.s32 @p1 $0x1;
	p0 =	seq.s32 s7, s2  }
0x1e: {  	s7 =	smul.u32 @!p0 $0xF7A, s2;
	p2 =	seq.s32 @!p0 s5, $0x0  }
0x1f: {  	s9 =	smul.u32 $0xF7A, s1;
	s8 =	simm.s32 @!p0 $0x1BF5;
	p2 =	por !p2, p0  }
0x20: {  	[sflag:s8] =	ssyncset.s32 @!p0 $0xFFFFF086;
	s6 =	sadd.s32 @!p0 s3, s7;
	s7 =	simm.s32 @!p0 $0x108  }
0x21: {  	s3 =	sadd.s32 s3, s9;
	s6 =	sadd.s32 @!p0 $0x88, s6;
	s7 =	simm.s32 @p2 $0x1082  }
0x22: {  	[simem:s7], [sflag:s8] =	dma.local @!p0 [hbm:s6], $0xF7A  }
0x23: {  	s9 =	sor.u32 $0xD0000000, s2;
	s6 =	simm.s32 $0x108;
	_ =	swait.ge @!p0 [sflag:s8], $0x0  }
0x24: {  	s3 =	sadd.s32 $0x88, s3;
	s6 =	simm.s32 @!p1 $0x1082;
	[sflag:s4] =	ssyncset.s32 $0xFFFFF086  }
0x25: {  	[simem:s6], [sflag:s4] =	dma.local [hbm:s3], $0xF7A  }
0x26: {  	[smem:$0x3F9B] =	sst s1;
	(tag) =	ssettag s2;
	_ =	strace s9  }
0x27: {  	s1 =	sld [smem:$0x3FAB]  }
0x28: {  	s2 =	sld [smem:$0x3FAC]  }
0x29: {  	s4 =	sld [smem:$0x3FAE]  }
0x2a: {  	p0 =	seq.s32 s5, $0x0;
	s5 =	sld [smem:$0x3FAF]  }
0x2b: {  	s6 =	sld [smem:$0x3FB0]  }
0x2c: {  	s7 =	sld [smem:$0x3FB1]  }
0x2d: {  	s3 =	simm.s32 $0x108;
	s8 =	sld [smem:$0x3FB2]  }
0x2e: {  	s3 =	simm.s32 @!p0 $0x1082;
	s9 =	sld [smem:$0x3FB3]  }
0x2f: {  	lr =	sadd.s32 s0, s3;
	s0 =	sld [smem:$0x3FAA]  }
0x30: {  	s3 =	sld [smem:$0x3FAD]  }
0x31: {  	[smem:$0x3FB6] =	sst s10  }
0x32: {  	s10 =	sld [smem:$0x3FB4];
	_ =	sdelay $0x3  }
0x33: {  	p0 =	seq.s32 s10, $0x1;
	s10 =	sld [smem:$0x3FB6];
	_ =	sdelay $0x3  }
0x34: {  	[smem:$0x3FB6] =	sst s10  }
0x35: {  	s10 =	sld [smem:$0x3FB5];
	_ =	sdelay $0x3  }
0x36: {  	p1 =	seq.s32 s10, $0x1;
	s10 =	sld [smem:$0x3FB6];
	_ =	sdelay $0x3  }
0x37: {  	[smem:$0x3FB6] =	sst s10  }
0x38: {  	s10 =	sld [smem:$0x3FB7]  }
0x39: {  	_ = 	snop;
	(pc) =	sbr.ind lr, $3  }
0x3a: {  	_ = 	snop  }
0x3b: {  	_ = 	snop  }
0x3c: {  	p2 =	seq.s32 s10, $0x1;
	s10 =	sld [smem:$0x3FB6]  }
0x3d: {  	_ =	shalt  }
0x3e: {  	_ =	shalt  }
0x3f: {  	_ =	shalt  }
0x40: {  	_ =	shalt  }
0x41: {  	_ =	shalt  }
0x42: {  	_ =	shalt  }
0x43: {  	_ =	shalt  }
0x44: {  	_ =	shalt  }
0x45: {  	_ =	shalt  }
0x46: {  	_ =	shalt  }
0x47: {  	_ =	shalt  }
0x48: {  	_ =	shalt  }
0x49: {  	_ =	shalt  }
0x4a: {  	_ =	shalt  }
0x4b: {  	_ =	shalt  }
0x4c: {  	_ =	shalt  }
0x4d: {  	_ =	shalt  }
0x4e: {  	_ =	shalt  }
0x4f: {  	_ =	shalt  }
0x50: {  	_ =	shalt  }
0x51: {  	_ =	shalt  }
0x52: {  	_ =	shalt  }
0x53: {  	_ =	shalt  }
0x54: {  	_ =	shalt  }
0x55: {  	_ =	shalt  }
0x56: {  	_ =	shalt  }
0x57: {  	_ =	shalt  }
0x58: {  	_ =	shalt  }
0x59: {  	_ =	shalt  }
0x5a: {  	_ =	shalt  }
0x5b: {  	_ =	shalt  }
0x5c: {  	_ =	shalt  }
0x5d: {  	_ =	shalt  }
0x5e: {  	_ =	shalt  }
0x5f: {  	_ =	shalt  }
0x60: {  	_ =	shalt  }
0x61: {  	_ =	shalt  }
0x62: {  	_ =	shalt  }
0x63: {  	_ =	shalt  }
0x64: {  	_ =	shalt  }
0x65: {  	_ =	shalt  }
0x66: {  	_ =	shalt  }
0x67: {  	_ =	shalt  }
0x68: {  	_ =	shalt  }
0x69: {  	_ =	shalt  }
0x6a: {  	_ =	shalt  }
0x6b: {  	_ =	shalt  }
0x6c: {  	_ =	shalt  }
0x6d: {  	_ =	shalt  }
0x6e: {  	_ =	shalt  }
0x6f: {  	_ =	shalt  }
0x70: {  	_ =	shalt  }
0x71: {  	_ =	shalt  }
0x72: {  	_ =	shalt  }
0x73: {  	_ =	shalt  }
0x74: {  	_ =	shalt  }
0x75: {  	_ =	shalt  }
0x76: {  	_ =	shalt  }
0x77: {  	_ =	shalt  }
0x78: {  	_ =	shalt  }
0x79: {  	_ =	shalt  }
0x7a: {  	_ =	shalt  }
0x7b: {  	_ =	shalt  }
0x7c: {  	_ =	shalt  }
0x7d: {  	_ =	shalt  }
0x7e: {  	_ =	shalt  }
0x7f: {  	_ =	shalt  }
0x80: {  	_ =	shalt  }
0x81: {  	_ =	shalt  }
0x82: {  	_ =	shalt  }
0x83: {  	_ =	shalt  }
0x84: {  	_ =	shalt  }
0x85: {  	_ =	shalt  }
0x86: {  	_ =	shalt  }
0x87: {  	_ =	shalt  }
.Lfunc_end0:
.L_simem_size_0:
called_computation_lowered:
.L_overlay_start_0:
0x88: {  	s0 =	sld [smem:$0x3FD9]  }
0x89: {  	s1 =	sld [smem:$0x3FFE];
	_ =	sdelay $0x3  }
0x8a: {  	s0 =	sadd.s32 s1, s0  }
0x8b: {  	[smem:$0x3FC2] =	sst s0  }
0x8c: {  	_ = 	snop  }
0x8d: {  	s0 =	sld [smem:$0x3FC4]  }
0x8e: {  	s16 =	sld [smem:$0x3FD0];
	(tm) =	ssettm $0x1  }
0x8f: {  	s2 =	sld [smem:$0x3FFB];
	_ =	sdelay $0x3  }
0x90: {  	_ =	strace s2  }
0x91: {  	s2 =	sld [smem:$0x3FFC];
	_ =	sdelay $0x3  }
0x92: {  	_ =	strace s2  }
0x93: {  	s2 =	sld [smem:$0x3FFD];
	_ =	sdelay $0x3  }
0x94: {  	_ =	strace s2  }
0x95: {  	_ =	strace $0x8FFFFFFF  }
0x96: {  	s17 =	sld [smem:$0x3FDB];
	_ =	sdelay $0x1  }
0x97: {  	s3 =	simm.s32 $_scs_section_size  }
0x98: {  	s4 =	simm.s32 $_size__tile_overlayer_lowered;
	s5 =	simm.s32 $_tile_overlayer_lowered  }
0x99: {  	s20 =	simm.s32 $0x1BFF;
	s19 =	sshll.u32 s5, $0x1;
	s2 =	sadd.s32 s3, s17  }
0x9a: {  	s6 =	simm.s32 $0x0;
	s18 =	sshll.u32 s4, $0x1;
	s4 =	sadd.s32 s19, s2  }
0x9b: {  	[timem:s6], [sflag:s20] =	dma.local [hbm:s4], s18  }
0x9c: {  	_ =	swait.ge [sflag:s20], s18  }
0x9d: {  	s3 =	ssub.s32 $0x0, s18;
	[sflag:s20] =	ssyncset.done $0x0  }
0x9e: {  	[sflag:s20] =	ssyncadd.s32 s3;
	_ =	sdelay $0x1  }
0x9f: {  	s21 =	simm.s32 $0x1B8B  }
0xa0: {  	_ =	swait.ge [sflag:s21], $0x1  }
0xa1: {  	[sflag:s21] =	ssyncset.done $0x0  }
0xa2: {  	s23 =	simm.s32 $0x1B8E;
	s22 =	sld [smem:$0x3FFE];
	[sflag:s21] =	ssyncadd.s32 $0xFFFFFFFF  }
0xa3: {  	s24 =	simm.s32 $execute0_lowered;
	[smem:$0x3FD2] =	sst s23  }
0xa4: {  	s4 =	sshll.u32 s24, $0x1;
	_ =	strace $0x80000046;
	[dreg:$0x1] =	wrdreg $0xFFFFFFFF  }
0xa5: {  	s25 =	simm.s32 $_size_execute0_lowered;
	s2 =	sadd.s32 s2, s4;
	[dreg:$0x0] =	wrdreg $0x0  }
0xa6: {  	s4 =	sshll.u32 s25, $0x1;
	[dreg:$0x2] =	wrdreg s2  }
0xa7: {  	[dreg:$0x3] =	wrdreg s4  }
0xa8: {  	[dreg:$0x4] =	wrdreg $0xC0  }
0xa9: {  	_ =	task [dreg:s6], $0x5FFFF  }
0xaa: {  	[dreg:$0x1] =	wrdreg $0xFFFFFFFF  }
0xab: {  	[dreg:$0x0] =	wrdreg $0x60  }
0xac: {  	[dreg:$0x2] =	wrdreg s22  }
0xad: {  	[dreg:$0x3] =	wrdreg s0  }
0xae: {  	[dreg:$0x4] =	wrdreg s16  }
0xaf: {  	[dreg:$0x5] =	wrdreg $0x9  }
0xb0: {  	_ =	task.clear_ibuf [dreg:s6], $0x6FFFF;
	_ =	strace $0x90000046  }
0xb1: {  	s26 =	simm.s32 $0x9;
	_ =	strace $0x80000048  }
0xb2: {  	_ =	swait.ge [sflag:s26], $0x1  }
0xb3: {  	[sflag:s26] =	ssyncadd.s32 $0xFFFFFFFF  }
0xb4: {  	_ =	strace $0x90000048  }
0xb5: {  	_ =	sfence  }
0xb6: {  	s28 =	sld [smem:$0x0];
	_ =	sdelay $0x1  }
0xb7: {  	s29 =	srdreg.scid  }
0xb8: {  	s30 =	sshll.u32 s29, $0xD;
	s31 =	sshrl.u32 s29, $0x2  }
0xb9: {  	s1 =	sand.u32 $0x1, s29;
	s2 =	sand.u32 $0x4000, s30;
	s0 =	sadd.s32 s31, s28  }
0xba: {  	s1 =	sor.u32 s2, s1;
	s0 =	sshll.u32 s0, $0x11  }
0xbb: {  	s0 =	sor.u32 s0, s1  }
0xbc: {  	s0 =	sadd.s32 $0x8F2B, s0  }
0xbd: {  	[sflag:s0] =	ssyncadd.remote.s32 $0x1  }
0xbe: {  	_ =	sfence.sel $0xFFFF  }
0xbf: {  	[dreg:$0x0] =	wrdreg $0xFFFFFFFF;
	(pc) =	sbr.abs _section_cstart, $3  }
0xc0: {  	[dreg:$0x1] =	wrdreg $0xFFFFFFFF  }
0xc1: {  	_ =	task.clear_ibuf [dreg:s6], $0x2FFFF;
	_ =	strace $0x9FFFFFFF  }
0xc2: {  	(tm) =	ssettm $0x7FFFFFFF  }
0xc3: {  	_ =	shalt  }
tec
execute0_lowered:
.L_overlay_start_1:
0x0: {  	(tag) =	ssettag $0x1  }
0x1: {  	s6 =	rddreg [dreg:$0x0]  }
0x2: {  	s7 =	rddreg [dreg:$0x1];
	s1 =	stileid.u32  }
0x3: {  	s2 =	rddreg [dreg:$0x2];
	s5 =	sshll.u32 s1, $0x6  }
0x4: {  	s0 =	rddreg [dreg:$0x3];
	s3 =	simm.s32 $0x0;
	s8 =	sand.u32 $0x380, s5  }
0x5: {  	s9 =	simm.s32 $0x400;
	[smem:$0x7FF] =	sst s3;
	s4 =	sadd.s32 s8, s6  }
0x6: {  	s10 =	simm.s32 $0x2000;
	_ =	strace $0x80000047;
	s4 =	sadd.s32 $0x5400, s4  }
0x7: {  	[tilespmem:s3], [sflag:$0x1] =	stream.strided.gather [hbm4b:s4+s9], $0x800, s10, s9, $0x38;
	[tilespmem:$0x3000] =	vst v63  }
0x8: {  	s19 =	simm.s32 $0x800;
	s18 =	sshll.u32 s1, $0xA;
	s7 =	sadd.s32 s7, s8  }
0x9: {  	[tilespmem:s19], [sflag:$0x1] =	stream.linear.gather [hbm4b:s7+s3], $0x400, $0x38;
	[tilespmem:$0x3000] =	vst v63  }
0xa: {  	s20 =	simm.s32 $0xC00;
	s6 =	sadd.s32 s18, s6;
	s7 =	sadd.s32 $0x400, s7  }
0xb: {  	[tilespmem:s20], [sflag:$0x1] =	stream.linear.gather [hbm4b:s7+s3], $0x100, $0x38;
	[tilespmem:$0x3000] =	vst v63  }
0xc: {  	s21 =	simm.s32 $0x1000;
	s22 =	simm.s32 $0x1;
	s6 =	sadd.s32 $0x1400, s6  }
0xd: {  	[tilespmem:s21], [sflag:$0x1] =	stream.linear.gather [hbm4b:s6+s3], $0x2000, $0x38;
	[tilespmem:$0x3000] =	vst v63  }
0xe: {  	_ =	swait.ge [sflag:s22], $0x800  }
0xf: {  	[sflag:s22] =	ssyncset.done $0x0  }
0x10: {  	[sflag:s22] =	ssyncadd.s32 $0xFFFFF800  }
0x11: {  	_ =	swait.ge [sflag:s22], $0x500  }
0x12: {  	[sflag:s22] =	ssyncset.done $0x0  }
0x13: {  	[sflag:s22] =	ssyncadd.s32 $0xFFFFFB00  }
0x14: {  	_ =	swait.ge [sflag:s22], $0x2000  }
0x15: {  	[sflag:s22] =	ssyncset.done $0x0  }
0x16: {  	s23 =	sand.u32 $0x40, s5;
	[sflag:s22] =	ssyncadd.s32 $0xFFFFE000  }
0x17: {  	v1 =	vld [tilespmem:s23+$0x800];
	_ =	sdelay $0x1  }
0x18: {  	v0 =	vlaneseq.u32  }
0x19: {  	v0 =	vmul.u32 $0x80, v0;
	_ =	sdelay $0x1  }
0x1a: {  	v2 =	vld [tilespmem:s23+$0x0];
	v1 =	vadd.s32 v0, v1;
	_ =	sdelay $0x4  }
0x1b: {  	[tilespmem:v1+s21+$0x0] =	vst.idx.add.f32.msk $0xffff, v2  }
0x1c: {  	v1 =	vld [tilespmem:s23+$0x880];
	_ =	sdelay $0x4  }
0x1d: {  	v2 =	vld [tilespmem:s23+$0x80];
	v1 =	vadd.s32 v0, v1;
	_ =	sdelay $0x4  }
0x1e: {  	[tilespmem:v1+s21+$0x0] =	vst.idx.add.f32.msk $0xffff, v2  }
0x1f: {  	v1 =	vld [tilespmem:s23+$0x900];
	_ =	sdelay $0x4  }
0x20: {  	v2 =	vld [tilespmem:s23+$0x100];
	v1 =	vadd.s32 v0, v1;
	_ =	sdelay $0x4  }
0x21: {  	[tilespmem:v1+s21+$0x0] =	vst.idx.add.f32.msk $0xffff, v2  }
0x22: {  	v1 =	vld [tilespmem:s23+$0x980];
	_ =	sdelay $0x4  }
0x23: {  	v2 =	vld [tilespmem:s23+$0x180];
	v1 =	vadd.s32 v0, v1;
	_ =	sdelay $0x4  }
0x24: {  	[tilespmem:v1+s21+$0x0] =	vst.idx.add.f32.msk $0xffff, v2  }
0x25: {  	v1 =	vld [tilespmem:s23+$0xA00];
	_ =	sdelay $0x4  }
0x26: {  	v2 =	vld [tilespmem:s23+$0x200];
	v1 =	vadd.s32 v0, v1;
	_ =	sdelay $0x4  }
0x27: {  	[tilespmem:v1+s21+$0x0] =	vst.idx.add.f32.msk $0xffff, v2  }
0x28: {  	v1 =	vld [tilespmem:s23+$0xA80];
	_ =	sdelay $0x4  }
0x29: {  	v2 =	vld [tilespmem:s23+$0x280];
	v1 =	vadd.s32 v0, v1;
	_ =	sdelay $0x4  }
0x2a: {  	[tilespmem:v1+s21+$0x0] =	vst.idx.add.f32.msk $0xffff, v2  }
0x2b: {  	v1 =	vld [tilespmem:s23+$0xB00];
	_ =	sdelay $0x4  }
0x2c: {  	v2 =	vld [tilespmem:s23+$0x300];
	v1 =	vadd.s32 v0, v1;
	_ =	sdelay $0x4  }
0x2d: {  	s24 =	sor.u32 $0xB80, s5;
	[tilespmem:v1+s21+$0x0] =	vst.idx.add.f32.msk $0xffff, v2  }
0x2e: {  	v1 =	vld [tilespmem:s24+$0x0];
	_ =	sdelay $0x3  }
0x2f: {  	s25 =	sor.u32 $0x380, s5  }
0x30: {  	v2 =	vld [tilespmem:s25+$0x0];
	v1 =	vadd.s32 v0, v1;
	_ =	sdelay $0x4  }
0x31: {  	[tilespmem:v1+s21+$0x0] =	vst.idx.add.f32.msk $0xffff, v2  }
0x32: {  	v1 =	vld [tilespmem:s23+$0xC00];
	_ =	sdelay $0x4  }
0x33: {  	v2 =	vld [tilespmem:s23+$0x400];
	v1 =	vadd.s32 v0, v1;
	_ =	sdelay $0x4  }
0x34: {  	[tilespmem:v1+s21+$0x0] =	vst.idx.add.f32.msk $0xffff, v2  }
0x35: {  	v1 =	vld [tilespmem:s23+$0xC80];
	_ =	sdelay $0x4  }
0x36: {  	v2 =	vld [tilespmem:s23+$0x480];
	v1 =	vadd.s32 v0, v1;
	_ =	sdelay $0x4  }
0x37: {  	[tilespmem:v1+s21+$0x0] =	vst.idx.add.f32.msk $0xffff, v2  }
0x38: {  	v1 =	vld [tilespmem:s23+$0x810];
	_ =	sdelay $0x3  }
0x39: {  	v61 =	vor.u32 $0x800, v0  }
0x3a: {  	v3 =	vld [tilespmem:s23+$0x10];
	v1 =	vadd.s32 v61, v1;
	_ =	sdelay $0x4  }
0x3b: {  	[tilespmem:v1+s21+$0x0] =	vst.idx.add.f32.msk $0xffff, v3  }
0x3c: {  	v1 =	vld [tilespmem:s23+$0x890];
	_ =	sdelay $0x4  }
0x3d: {  	v3 =	vld [tilespmem:s23+$0x90];
	v1 =	vadd.s32 v61, v1;
	_ =	sdelay $0x4  }
0x3e: {  	[tilespmem:v1+s21+$0x0] =	vst.idx.add.f32.msk $0xffff, v3  }
0x3f: {  	v1 =	vld [tilespmem:s23+$0x910];
	_ =	sdelay $0x4  }
0x40: {  	v3 =	vld [tilespmem:s23+$0x110];
	v1 =	vadd.s32 v61, v1;
	_ =	sdelay $0x4  }
0x41: {  	[tilespmem:v1+s21+$0x0] =	vst.idx.add.f32.msk $0xffff, v3  }
0x42: {  	v1 =	vld [tilespmem:s23+$0x990];
	_ =	sdelay $0x4  }
0x43: {  	v3 =	vld [tilespmem:s23+$0x190];
	v1 =	vadd.s32 v61, v1;
	_ =	sdelay $0x4  }
0x44: {  	[tilespmem:v1+s21+$0x0] =	vst.idx.add.f32.msk $0xffff, v3  }
0x45: {  	v1 =	vld [tilespmem:s23+$0xA10];
	_ =	sdelay $0x4  }
0x46: {  	v3 =	vld [tilespmem:s23+$0x210];
	v1 =	vadd.s32 v61, v1;
	_ =	sdelay $0x4  }
0x47: {  	[tilespmem:v1+s21+$0x0] =	vst.idx.add.f32.msk $0xffff, v3  }
0x48: {  	v1 =	vld [tilespmem:s23+$0xA90];
	_ =	sdelay $0x4  }
0x49: {  	v3 =	vld [tilespmem:s23+$0x290];
	v1 =	vadd.s32 v61, v1;
	_ =	sdelay $0x4  }
0x4a: {  	[tilespmem:v1+s21+$0x0] =	vst.idx.add.f32.msk $0xffff, v3  }
0x4b: {  	v1 =	vld [tilespmem:s23+$0xB10];
	_ =	sdelay $0x4  }
0x4c: {  	v3 =	vld [tilespmem:s23+$0x310];
	v1 =	vadd.s32 v61, v1;
	_ =	sdelay $0x4  }
0x4d: {  	s26 =	sor.u32 $0xB90, s5;
	[tilespmem:v1+s21+$0x0] =	vst.idx.add.f32.msk $0xffff, v3  }
0x4e: {  	v1 =	vld [tilespmem:s26+$0x0];
	_ =	sdelay $0x3  }
0x4f: {  	s28 =	sor.u32 $0x390, s5  }
0x50: {  	v3 =	vld [tilespmem:s28+$0x0];
	v1 =	vadd.s32 v61, v1;
	_ =	sdelay $0x4  }
0x51: {  	[tilespmem:v1+s21+$0x0] =	vst.idx.add.f32.msk $0xffff, v3  }
0x52: {  	v1 =	vld [tilespmem:s23+$0xC10];
	_ =	sdelay $0x4  }
0x53: {  	v3 =	vld [tilespmem:s23+$0x410];
	v1 =	vadd.s32 v61, v1;
	_ =	sdelay $0x4  }
0x54: {  	[tilespmem:v1+s21+$0x0] =	vst.idx.add.f32.msk $0xffff, v3  }
0x55: {  	v1 =	vld [tilespmem:s23+$0xC90];
	_ =	sdelay $0x4  }
0x56: {  	v3 =	vld [tilespmem:s23+$0x490];
	v1 =	vadd.s32 v61, v1;
	_ =	sdelay $0x4  }
0x57: {  	[tilespmem:v1+s21+$0x0] =	vst.idx.add.f32.msk $0xffff, v3  }
0x58: {  	v1 =	vld [tilespmem:s23+$0x820];
	_ =	sdelay $0x3  }
0x59: {  	v62 =	vor.u32 $0x1000, v0  }
0x5a: {  	v3 =	vld [tilespmem:s23+$0x20];
	v1 =	vadd.s32 v62, v1;
	_ =	sdelay $0x4  }
0x5b: {  	[tilespmem:v1+s21+$0x0] =	vst.idx.add.f32.msk $0xffff, v3  }
0x5c: {  	v1 =	vld [tilespmem:s23+$0x8A0];
	_ =	sdelay $0x4  }
0x5d: {  	v3 =	vld [tilespmem:s23+$0xA0];
	v1 =	vadd.s32 v62, v1;
	_ =	sdelay $0x4  }
0x5e: {  	[tilespmem:v1+s21+$0x0] =	vst.idx.add.f32.msk $0xffff, v3  }
0x5f: {  	v1 =	vld [tilespmem:s23+$0x920];
	_ =	sdelay $0x4  }
0x60: {  	v3 =	vld [tilespmem:s23+$0x120];
	v1 =	vadd.s32 v62, v1;
	_ =	sdelay $0x4  }
0x61: {  	[tilespmem:v1+s21+$0x0] =	vst.idx.add.f32.msk $0xffff, v3  }
0x62: {  	v1 =	vld [tilespmem:s23+$0x9A0];
	_ =	sdelay $0x4  }
0x63: {  	v3 =	vld [tilespmem:s23+$0x1A0];
	v1 =	vadd.s32 v62, v1;
	_ =	sdelay $0x4  }
0x64: {  	[tilespmem:v1+s21+$0x0] =	vst.idx.add.f32.msk $0xffff, v3  }
0x65: {  	v1 =	vld [tilespmem:s23+$0xA20];
	_ =	sdelay $0x4  }
0x66: {  	v3 =	vld [tilespmem:s23+$0x220];
	v1 =	vadd.s32 v62, v1;
	_ =	sdelay $0x4  }
0x67: {  	[tilespmem:v1+s21+$0x0] =	vst.idx.add.f32.msk $0xffff, v3  }
0x68: {  	v1 =	vld [tilespmem:s23+$0xAA0];
	_ =	sdelay $0x4  }
0x69: {  	v3 =	vld [tilespmem:s23+$0x2A0];
	v1 =	vadd.s32 v62, v1;
	_ =	sdelay $0x4  }
0x6a: {  	[tilespmem:v1+s21+$0x0] =	vst.idx.add.f32.msk $0xffff, v3  }
0x6b: {  	v1 =	vld [tilespmem:s23+$0xB20];
	_ =	sdelay $0x4  }
0x6c: {  	v3 =	vld [tilespmem:s23+$0x320];
	v1 =	vadd.s32 v62, v1;
	_ =	sdelay $0x4  }
0x6d: {  	s29 =	sor.u32 $0xBA0, s5;
	[tilespmem:v1+s21+$0x0] =	vst.idx.add.f32.msk $0xffff, v3  }
0x6e: {  	v1 =	vld [tilespmem:s29+$0x0];
	_ =	sdelay $0x3  }
0x6f: {  	s30 =	sor.u32 $0x3A0, s5  }
0x70: {  	v3 =	vld [tilespmem:s30+$0x0];
	v1 =	vadd.s32 v62, v1;
	_ =	sdelay $0x4  }
0x71: {  	[tilespmem:v1+s21+$0x0] =	vst.idx.add.f32.msk $0xffff, v3  }
0x72: {  	v1 =	vld [tilespmem:s23+$0xC20];
	_ =	sdelay $0x4  }
0x73: {  	v3 =	vld [tilespmem:s23+$0x420];
	v1 =	vadd.s32 v62, v1;
	_ =	sdelay $0x4  }
0x74: {  	[tilespmem:v1+s21+$0x0] =	vst.idx.add.f32.msk $0xffff, v3  }
0x75: {  	v1 =	vld [tilespmem:s23+$0xCA0];
	_ =	sdelay $0x4  }
0x76: {  	v3 =	vld [tilespmem:s23+$0x4A0];
	v1 =	vadd.s32 v62, v1;
	_ =	sdelay $0x4  }
0x77: {  	[tilespmem:v1+s21+$0x0] =	vst.idx.add.f32.msk $0xffff, v3  }
0x78: {  	v1 =	vld [tilespmem:s23+$0x830];
	_ =	sdelay $0x3  }
0x79: {  	v0 =	vor.u32 $0x1800, v0  }
0x7a: {  	v63 =	vld [tilespmem:s23+$0x30];
	v1 =	vadd.s32 v0, v1;
	_ =	sdelay $0x4  }
0x7b: {  	[tilespmem:v1+s21+$0x0] =	vst.idx.add.f32.msk $0xffff, v63  }
0x7c: {  	v1 =	vld [tilespmem:s23+$0x8B0];
	_ =	sdelay $0x4  }
0x7d: {  	v2 =	vld [tilespmem:s23+$0xB0];
	v1 =	vadd.s32 v0, v1;
	_ =	sdelay $0x4  }
0x7e: {  	[tilespmem:v1+s21+$0x0] =	vst.idx.add.f32.msk $0xffff, v2  }
0x7f: {  	v1 =	vld [tilespmem:s23+$0x930];
	_ =	sdelay $0x4  }
0x80: {  	v2 =	vld [tilespmem:s23+$0x130];
	v1 =	vadd.s32 v0, v1;
	_ =	sdelay $0x4  }
0x81: {  	[tilespmem:v1+s21+$0x0] =	vst.idx.add.f32.msk $0xffff, v2  }
0x82: {  	v1 =	vld [tilespmem:s23+$0x9B0];
	_ =	sdelay $0x4  }
0x83: {  	v2 =	vld [tilespmem:s23+$0x1B0];
	v1 =	vadd.s32 v0, v1;
	_ =	sdelay $0x4  }
0x84: {  	[tilespmem:v1+s21+$0x0] =	vst.idx.add.f32.msk $0xffff, v2  }
0x85: {  	v1 =	vld [tilespmem:s23+$0xA30];
	_ =	sdelay $0x4  }
0x86: {  	v2 =	vld [tilespmem:s23+$0x230];
	v1 =	vadd.s32 v0, v1;
	_ =	sdelay $0x4  }
0x87: {  	[tilespmem:v1+s21+$0x0] =	vst.idx.add.f32.msk $0xffff, v2  }
0x88: {  	v1 =	vld [tilespmem:s23+$0xAB0];
	_ =	sdelay $0x4  }
0x89: {  	v2 =	vld [tilespmem:s23+$0x2B0];
	v1 =	vadd.s32 v0, v1;
	_ =	sdelay $0x4  }
0x8a: {  	[tilespmem:v1+s21+$0x0] =	vst.idx.add.f32.msk $0xffff, v2  }
0x8b: {  	v1 =	vld [tilespmem:s23+$0xB30];
	_ =	sdelay $0x4  }
0x8c: {  	v2 =	vld [tilespmem:s23+$0x330];
	v1 =	vadd.s32 v0, v1;
	_ =	sdelay $0x4  }
0x8d: {  	s31 =	sor.u32 $0xBB0, s5;
	[tilespmem:v1+s21+$0x0] =	vst.idx.add.f32.msk $0xffff, v2  }
0x8e: {  	v1 =	vld [tilespmem:s31+$0x0];
	_ =	sdelay $0x3  }
0x8f: {  	s5 =	sor.u32 $0x3B0, s5  }
0x90: {  	v2 =	vld [tilespmem:s5+$0x0];
	v1 =	vadd.s32 v0, v1;
	_ =	sdelay $0x4  }
0x91: {  	[tilespmem:v1+s21+$0x0] =	vst.idx.add.f32.msk $0xffff, v2  }
0x92: {  	v1 =	vld [tilespmem:s23+$0xC30];
	_ =	sdelay $0x4  }
0x93: {  	v2 =	vld [tilespmem:s23+$0x430];
	v1 =	vadd.s32 v0, v1;
	_ =	sdelay $0x4  }
0x94: {  	[tilespmem:v1+s21+$0x0] =	vst.idx.add.f32.msk $0xffff, v2  }
0x95: {  	v1 =	vld [tilespmem:s23+$0xCB0];
	_ =	sdelay $0x4  }
0x96: {  	v2 =	vld [tilespmem:s23+$0x4B0];
	v0 =	vadd.s32 v0, v1;
	_ =	sdelay $0x4  }
0x97: {  	s2 =	sadd.s32 s2, s18;
	[tilespmem:v0+s21+$0x0] =	vst.idx.add.f32.msk $0xffff, v2  }
0x98: {  	[hbm4b:s2+s3] =	stream.linear.scatter [tilespmem:s21], [sflag:$0x1], $0x2000, $0x38;
	[tilespmem:$0x3000] =	vst v63  }
0x99: {  	_ =	swait.ge [sflag:s22], $0x2000  }
0x9a: {  	[sflag:s22] =	ssyncset.done $0x0  }
0x9b: {  	[sflag:s22] =	ssyncadd.s32 $0xFFFFE000  }
0x9c: {  	_ =	sfence.sel $0x180000  }
0x9d: {  	[bflag:$0x0] =	sbarrier.arrive $0xFFFF  }
0x9e: {  	p0 =	sne.s32 s1, $0x0;
	_ =	strace $0x90000047  }
0x9f: {  	s0 =	sadd.s32 @!p0 $0x100000, s0;
	[bflag:$0x2] =	sbarrier.arrive $0xFFFF  }
0xa0: {  	[sflag:s0] =	ssyncadd.tile.s32 @!p0 $0x1;
	_ =	shalt  }
.Lfunc_end2:
_tile_overlayer_lowered:
.L_overlay_start_2:
0xa1: {  	(tag) =	ssettag $0x2  }
0xa2: {  	s0 =	rddreg [dreg:$0x0];
	s2 =	stileid.u32  }
0xa3: {  	s1 =	rddreg [dreg:$0x1];
	p0 =	sne.s32 s2, $0x0  }
0xa4: {  	s3 =	rddreg [dreg:$0x2];
	[bflag:$0x3] =	sbarrier.arrive $0xFFFF;
	s2 =	simm.s32 @!p0 $0x1C02  }
0xa5: {  	[timem:s3], [sflag:s2] =	dma.local @!p0 [hbm:s0], s1  }
0xa6: {  	s0 =	simm.s32 @!p0 $0x2  }
0xa7: {  	_ =	swait.ge @!p0 [sflag:s0], s1  }
0xa8: {  	s1 =	ssub.s32 @!p0 $0x0, s1;
	[sflag:s0] =	ssyncset.done @!p0 $0x0  }
0xa9: {  	[sflag:s0] =	ssyncadd.s32 @!p0 s1  }
0xaa: {  	[bflag:$0x3] =	sbarrier.arrive $0xFFFF  }
0xab: {  	_ =	shalt  }

</sc_bundles>
